<compile_context>
chip_gen: v7x
topology: tpu7x:2x2x1
jax: 0.10.2.dev20260603
libtpu: 0.0.44.dev20260713+nightly
codegen_flags: <defaults>
</compile_context>

<pallas_src>
import functools

import jax
import jax.numpy as jnp
from jax import lax
from jax.experimental import pallas as pl
from jax.experimental.pallas import tpu as pltpu
from jax.experimental.pallas import tpu_sc as plsc


def _sc_phase_kernel(tb_hbm, inp_hbm, tgt_hbm, out_hbm, tb_v, idx_v, idx2_v,
                     tile_v, sem, *, num_labels, embed_dim, bs, hs, ws, lanes,
                     ring):
    nc = 2
    wid = lax.axis_index("s") * nc + lax.axis_index("c")
    c = wid
    ce = lax.rem(c, embed_dim)

    pltpu.sync_copy(tb_hbm.at[ce], tb_v)
    pltpu.sync_copy(inp_hbm, idx_v)
    pltpu.sync_copy(tgt_hbm, idx2_v)

    use_inp = c < embed_dim
    for i in range(bs // lanes):
        iv = jnp.where(use_inp, idx_v[pl.ds(i * lanes, lanes)],
                       idx2_v[pl.ds(i * lanes, lanes)])
        acc = jnp.zeros((lanes,), jnp.float32)
        for lbl in range(num_labels):
            acc = jnp.where(iv == lbl, tb_v[lbl], acc)
        tile_v[pl.ds(i * lanes, lanes)] = acc

    @pl.loop(1, ws)
    def _rep(w):
        for i in range(bs // lanes):
            tile_v[pl.ds(w * bs + i * lanes, lanes)] = (
                tile_v[pl.ds(i * lanes, lanes)])

    span = ws * bs
    base = c * hs * span

    @pl.loop(0, hs, step=ring)
    def _fire(h0):
        for r in range(ring):
            off = base + (h0 + r) * span
            pltpu.make_async_copy(
                tile_v, out_hbm.at[pl.ds(off, span)], sem).start()
        for r in range(ring):
            off = base + (h0 + r) * span
            pltpu.make_async_copy(
                tile_v, out_hbm.at[pl.ds(off, span)], sem).wait()


def kernel(table, inp_idx, tgt_idx, B, H, W):
    Bs = inp_idx.shape[0]
    num_labels, embed_dim = table.shape
    Hs, Ws = 64, 64
    C = 2 * embed_dim
    lanes = 16
    ring = 8

    tb = jnp.broadcast_to(
        jnp.concatenate([table.T, table.T], axis=0)[:, :, None],
        (C, num_labels, lanes)).astype(jnp.float32)

    mesh = plsc.VectorSubcoreMesh(core_axis_name="c", subcore_axis_name="s")
    flat = pl.kernel(
        functools.partial(_sc_phase_kernel, num_labels=num_labels,
                          embed_dim=embed_dim, bs=Bs, hs=Hs, ws=Ws,
                          lanes=lanes, ring=ring),
        mesh=mesh,
        out_type=jax.ShapeDtypeStruct((C * Hs * Ws * Bs,), jnp.float32),
        scratch_types=[
            pltpu.VMEM((num_labels, lanes), jnp.float32),
            pltpu.VMEM((Bs,), jnp.int32),
            pltpu.VMEM((Bs,), jnp.int32),
            pltpu.VMEM((Ws * Bs,), jnp.float32),
            pltpu.SemaphoreType.DMA,
        ],
    )(tb, inp_idx.astype(jnp.int32), tgt_idx.astype(jnp.int32))
    return jnp.transpose(flat.reshape(C, Hs, Ws, Bs), (3, 0, 1, 2))

# --- scband reference (transcript-rebuilt; emitter-appended) ---
"""Pipeline reference for scband-phase-embedder-11398843203975 (READ-ONLY COPY).

The authoritative reference and input builder live on the scoring server;
editing this copy changes nothing except your own understanding.
"""

import jax, jax.numpy as jnp
import numpy as np


def setup_inputs(seed: int = 0) -> dict:
    key = jax.random.key(seed)
    k1, k2, k3 = jax.random.split(key, 3)
    B, H, W = 256, 64, 64
    num_labels, embed_dim = 8, 16
    inp_idx = jax.random.randint(k1, (B,), 0, num_labels, dtype=jnp.int64 if jax.config.jax_enable_x64 else jnp.int32)
    tgt_idx = jax.random.randint(k2, (B,), 0, num_labels, dtype=jnp.int64 if jax.config.jax_enable_x64 else jnp.int32)
    table = jax.random.normal(k3, (num_labels, embed_dim), dtype=jnp.float32)
    return {"table": table, "inp_idx": inp_idx, "tgt_idx": tgt_idx, "B": B, "H": H, "W": W}


def reference(table, inp_idx, tgt_idx, B, H, W):
    # PhaseEmbedder.forward: label->idx lookup is precomputed as int index tensors.
    inp_e = jnp.take(table, inp_idx, axis=0)   # [B, embed_dim]
    tgt_e = jnp.take(table, tgt_idx, axis=0)   # [B, embed_dim]
    cond = jnp.concatenate([inp_e, tgt_e], axis=1)  # [B, 2*embed_dim]
    B_static = inp_idx.shape[0]
    H_static, W_static = 64, 64
    cond = jnp.broadcast_to(cond[:, :, None, None], (B_static, cond.shape[1], H_static, W_static))
    one = ((jnp.asarray(B) + jnp.asarray(H) + jnp.asarray(W)) * 0 + 1).astype(cond.dtype)
    return cond * one

if __name__ == "__main__":
    import jax
    _d = setup_inputs()
    print(jax.jit(kernel)(*tuple(_d.values())))

</pallas_src>

<mosaic_0001>
#map = affine_map<(d0, d1) -> (0, 0, 0)>
#map1 = affine_map<(d0, d1) -> (0)>
module attributes {stable_mosaic.version = 14 : i64} {
  func.func @_sc_phase_kernel(%arg0: i32, %arg1: i32, %arg2: memref<32x8x16xf32, #tpu.memory_space<hbm>>, %arg3: memref<256xi32, #tpu.memory_space<hbm>>, %arg4: memref<256xi32, #tpu.memory_space<hbm>>, %arg5: memref<33554432xf32, #tpu.memory_space<hbm>>, %arg6: memref<8x16xf32, #tpu.memory_space<vmem>>, %arg7: memref<256xi32, #tpu.memory_space<vmem>>, %arg8: memref<256xi32, #tpu.memory_space<vmem>>, %arg9: memref<16384xf32, #tpu.memory_space<vmem>>, %arg10: memref<!tpu.dma_semaphore, #tpu.memory_space<semaphore_mem>>) attributes {dimension_semantics = [#tpu.dimension_semantics<core_parallel>, #tpu.dimension_semantics<subcore_parallel>], iteration_bounds = array<i64: 2, 16>, scalar_prefetch = 0 : i64, scratch_operands = 5 : i64, tpu.core_type = #tpu.core_type<sc_vector_subcore>, window_params = [{transform_indices = #map}, {transform_indices = #map1}, {transform_indices = #map1}, {transform_indices = #map1}]} {
    %mul3A = arith.constant 2 : i32
    %mul3A_0 = arith.muli %arg1, %mul3A : i32
    %add3A = arith.addi %mul3A_0, %arg0 : i32
    %rem3A = arith.constant 16 : i32
    %rem3A_1 = arith.remsi %add3A, %rem3A : i32
    "tpu.region"() ({
      %run_scoped3A = tpu.sem_alloc : memref<!tpu.dma_semaphore, #tpu.memory_space<semaphore_mem>>
      %dma_start3A = arith.constant 0 : i32
      %dma_start3A_1371 = arith.constant 0 : i32
      %dma_start3A_1372 = tpu.memref_slice %arg2[%rem3A_1, %dma_start3A, %dma_start3A_1371] : memref<32x8x16xf32, #tpu.memory_space<hbm>> -> memref<1x8x16xf32, #tpu.memory_space<hbm>>
      %dma_start3A_1373 = tpu.memref_squeeze %dma_start3A_1372 : memref<1x8x16xf32, #tpu.memory_space<hbm>> -> memref<8x16xf32, #tpu.memory_space<hbm>>
      %dma_start3A_1374 = arith.constant 0 : i32
      %dma_start3A_1375 = arith.constant 0 : i32
      %dma_start3A_1376 = tpu.memref_slice %arg2[%rem3A_1, %dma_start3A_1374, %dma_start3A_1375] : memref<32x8x16xf32, #tpu.memory_space<hbm>> -> memref<1x8x16xf32, #tpu.memory_space<hbm>>
      %dma_start3A_1377 = tpu.memref_squeeze %dma_start3A_1376 : memref<1x8x16xf32, #tpu.memory_space<hbm>> -> memref<8x16xf32, #tpu.memory_space<hbm>>
      tpu.enqueue_dma source(%dma_start3A_1377 : memref<8x16xf32, #tpu.memory_space<hbm>>) target(%arg6 : memref<8x16xf32, #tpu.memory_space<vmem>>) target_semaphore(%run_scoped3A : memref<!tpu.dma_semaphore, #tpu.memory_space<semaphore_mem>>)
      %dma_wait3A = arith.constant 0 : i32
      %dma_wait3A_1378 = arith.constant 0 : i32
      %dma_wait3A_1379 = tpu.memref_slice %arg2[%rem3A_1, %dma_wait3A, %dma_wait3A_1378] : memref<32x8x16xf32, #tpu.memory_space<hbm>> -> memref<1x8x16xf32, #tpu.memory_space<hbm>>
      %dma_wait3A_1380 = tpu.memref_squeeze %dma_wait3A_1379 : memref<1x8x16xf32, #tpu.memory_space<hbm>> -> memref<8x16xf32, #tpu.memory_space<hbm>>
      %dma_wait3A_1381 = arith.constant 0 : i32
      %dma_wait3A_1382 = arith.constant 0 : i32
      %dma_wait3A_1383 = tpu.memref_slice %arg2[%rem3A_1, %dma_wait3A_1381, %dma_wait3A_1382] : memref<32x8x16xf32, #tpu.memory_space<hbm>> -> memref<1x8x16xf32, #tpu.memory_space<hbm>>
      %dma_wait3A_1384 = tpu.memref_squeeze %dma_wait3A_1383 : memref<1x8x16xf32, #tpu.memory_space<hbm>> -> memref<8x16xf32, #tpu.memory_space<hbm>>
      tpu.wait_dma2 semaphore(%run_scoped3A : memref<!tpu.dma_semaphore, #tpu.memory_space<semaphore_mem>>) src(%dma_wait3A_1384 : memref<8x16xf32, #tpu.memory_space<hbm>>) dst(%arg6 : memref<8x16xf32, #tpu.memory_space<vmem>>)
      tpu.yield
    }) : () -> ()
    "tpu.region"() ({
      %run_scoped3A = tpu.sem_alloc : memref<!tpu.dma_semaphore, #tpu.memory_space<semaphore_mem>>
      tpu.enqueue_dma source(%arg3 : memref<256xi32, #tpu.memory_space<hbm>>) target(%arg7 : memref<256xi32, #tpu.memory_space<vmem>>) target_semaphore(%run_scoped3A : memref<!tpu.dma_semaphore, #tpu.memory_space<semaphore_mem>>)
      tpu.wait_dma2 semaphore(%run_scoped3A : memref<!tpu.dma_semaphore, #tpu.memory_space<semaphore_mem>>) src(%arg3 : memref<256xi32, #tpu.memory_space<hbm>>) dst(%arg7 : memref<256xi32, #tpu.memory_space<vmem>>)
      tpu.yield
    }) : () -> ()
    "tpu.region"() ({
      %run_scoped3A = tpu.sem_alloc : memref<!tpu.dma_semaphore, #tpu.memory_space<semaphore_mem>>
      tpu.enqueue_dma source(%arg4 : memref<256xi32, #tpu.memory_space<hbm>>) target(%arg8 : memref<256xi32, #tpu.memory_space<vmem>>) target_semaphore(%run_scoped3A : memref<!tpu.dma_semaphore, #tpu.memory_space<semaphore_mem>>)
      tpu.wait_dma2 semaphore(%run_scoped3A : memref<!tpu.dma_semaphore, #tpu.memory_space<semaphore_mem>>) src(%arg4 : memref<256xi32, #tpu.memory_space<hbm>>) dst(%arg8 : memref<256xi32, #tpu.memory_space<vmem>>)
      tpu.yield
    }) : () -> ()
    %lt3A = arith.constant 16 : i32
    %lt3A_2 = arith.cmpi slt, %add3A, %lt3A : i32
    %get3A = arith.constant 0 : index
    %get3A_3 = tpu.vector_load %arg7[%get3A] {strides = array<i32>} : memref<256xi32, #tpu.memory_space<vmem>>, vector<16xi32>,
    %get3A_4 = vector.shape_cast %get3A_3 : vector<16xi32> to vector<16xi32>
    %get3A_5 = arith.constant 0 : index
    %get3A_6 = tpu.vector_load %arg8[%get3A_5] {strides = array<i32>} : memref<256xi32, #tpu.memory_space<vmem>>, vector<16xi32>,
    %get3A_7 = vector.shape_cast %get3A_6 : vector<16xi32> to vector<16xi32>
    %select_n3A = arith.select %lt3A_2, %get3A_4, %get3A_7 : vector<16xi32>
    %broadcast_in_dim3A = arith.constant 0.000000e+00 : f32
    %broadcast_in_dim3A_8 = vector.broadcast %broadcast_in_dim3A : f32 to vector<16xf32>
    %eq3A = arith.constant 0 : i32
    %eq3A_9 = vector.broadcast %eq3A : i32 to vector<16xi32>
    %eq3A_10 = arith.cmpi eq, %select_n3A, %eq3A_9 : vector<16xi32>
    %get3A_11 = arith.constant 0 : i32
    %get3A_12 = arith.index_cast %get3A_11 : i32 to index
    %get3A_13 = arith.constant 0 : index
    %get3A_14 = tpu.vector_load %arg6[%get3A_12, %get3A_13] {strides = array<i32>} : memref<8x16xf32, #tpu.memory_space<vmem>>, vector<1x16xf32>,
    %get3A_15 = vector.shape_cast %get3A_14 : vector<1x16xf32> to vector<16xf32>
    %select_n3A_16 = arith.select %eq3A_10, %get3A_15, %broadcast_in_dim3A_8 : vector<16xi1>, vector<16xf32>
    %eq3A_17 = arith.constant 1 : i32
    %eq3A_18 = vector.broadcast %eq3A_17 : i32 to vector<16xi32>
    %eq3A_19 = arith.cmpi eq, %select_n3A, %eq3A_18 : vector<16xi32>
    %get3A_20 = arith.constant 1 : i32
    %get3A_21 = arith.index_cast %get3A_20 : i32 to index
    %get3A_22 = arith.constant 0 : index
    %get3A_23 = tpu.vector_load %arg6[%get3A_21, %get3A_22] {strides = array<i32>} : memref<8x16xf32, #tpu.memory_space<vmem>>, vector<1x16xf32>,
    %get3A_24 = vector.shape_cast %get3A_23 : vector<1x16xf32> to vector<16xf32>
    %select_n3A_25 = arith.select %eq3A_19, %get3A_24, %select_n3A_16 : vector<16xi1>, vector<16xf32>
    %eq3A_26 = arith.constant 2 : i32
    %eq3A_27 = vector.broadcast %eq3A_26 : i32 to vector<16xi32>
    %eq3A_28 = arith.cmpi eq, %select_n3A, %eq3A_27 : vector<16xi32>
    %get3A_29 = arith.constant 2 : i32
    %get3A_30 = arith.index_cast %get3A_29 : i32 to index
    %get3A_31 = arith.constant 0 : index
    %get3A_32 = tpu.vector_load %arg6[%get3A_30, %get3A_31] {strides = array<i32>} : memref<8x16xf32, #tpu.memory_space<vmem>>, vector<1x16xf32>,
    %get3A_33 = vector.shape_cast %get3A_32 : vector<1x16xf32> to vector<16xf32>
    %select_n3A_34 = arith.select %eq3A_28, %get3A_33, %select_n3A_25 : vector<16xi1>, vector<16xf32>
    %eq3A_35 = arith.constant 3 : i32
    %eq3A_36 = vector.broadcast %eq3A_35 : i32 to vector<16xi32>
    %eq3A_37 = arith.cmpi eq, %select_n3A, %eq3A_36 : vector<16xi32>
    %get3A_38 = arith.constant 3 : i32
    %get3A_39 = arith.index_cast %get3A_38 : i32 to index
    %get3A_40 = arith.constant 0 : index
    %get3A_41 = tpu.vector_load %arg6[%get3A_39, %get3A_40] {strides = array<i32>} : memref<8x16xf32, #tpu.memory_space<vmem>>, vector<1x16xf32>,
    %get3A_42 = vector.shape_cast %get3A_41 : vector<1x16xf32> to vector<16xf32>
    %select_n3A_43 = arith.select %eq3A_37, %get3A_42, %select_n3A_34 : vector<16xi1>, vector<16xf32>
    %eq3A_44 = arith.constant 4 : i32
    %eq3A_45 = vector.broadcast %eq3A_44 : i32 to vector<16xi32>
    %eq3A_46 = arith.cmpi eq, %select_n3A, %eq3A_45 : vector<16xi32>
    %get3A_47 = arith.constant 4 : i32
    %get3A_48 = arith.index_cast %get3A_47 : i32 to index
    %get3A_49 = arith.constant 0 : index
    %get3A_50 = tpu.vector_load %arg6[%get3A_48, %get3A_49] {strides = array<i32>} : memref<8x16xf32, #tpu.memory_space<vmem>>, vector<1x16xf32>,
    %get3A_51 = vector.shape_cast %get3A_50 : vector<1x16xf32> to vector<16xf32>
    %select_n3A_52 = arith.select %eq3A_46, %get3A_51, %select_n3A_43 : vector<16xi1>, vector<16xf32>
    %eq3A_53 = arith.constant 5 : i32
    %eq3A_54 = vector.broadcast %eq3A_53 : i32 to vector<16xi32>
    %eq3A_55 = arith.cmpi eq, %select_n3A, %eq3A_54 : vector<16xi32>
    %get3A_56 = arith.constant 5 : i32
    %get3A_57 = arith.index_cast %get3A_56 : i32 to index
    %get3A_58 = arith.constant 0 : index
    %get3A_59 = tpu.vector_load %arg6[%get3A_57, %get3A_58] {strides = array<i32>} : memref<8x16xf32, #tpu.memory_space<vmem>>, vector<1x16xf32>,
    %get3A_60 = vector.shape_cast %get3A_59 : vector<1x16xf32> to vector<16xf32>
    %select_n3A_61 = arith.select %eq3A_55, %get3A_60, %select_n3A_52 : vector<16xi1>, vector<16xf32>
    %eq3A_62 = arith.constant 6 : i32
    %eq3A_63 = vector.broadcast %eq3A_62 : i32 to vector<16xi32>
    %eq3A_64 = arith.cmpi eq, %select_n3A, %eq3A_63 : vector<16xi32>
    %get3A_65 = arith.constant 6 : i32
    %get3A_66 = arith.index_cast %get3A_65 : i32 to index
    %get3A_67 = arith.constant 0 : index
    %get3A_68 = tpu.vector_load %arg6[%get3A_66, %get3A_67] {strides = array<i32>} : memref<8x16xf32, #tpu.memory_space<vmem>>, vector<1x16xf32>,
    %get3A_69 = vector.shape_cast %get3A_68 : vector<1x16xf32> to vector<16xf32>
    %select_n3A_70 = arith.select %eq3A_64, %get3A_69, %select_n3A_61 : vector<16xi1>, vector<16xf32>
    %eq3A_71 = arith.constant 7 : i32
    %eq3A_72 = vector.broadcast %eq3A_71 : i32 to vector<16xi32>
    %eq3A_73 = arith.cmpi eq, %select_n3A, %eq3A_72 : vector<16xi32>
    %get3A_74 = arith.constant 7 : i32
    %get3A_75 = arith.index_cast %get3A_74 : i32 to index
    %get3A_76 = arith.constant 0 : index
    %get3A_77 = tpu.vector_load %arg6[%get3A_75, %get3A_76] {strides = array<i32>} : memref<8x16xf32, #tpu.memory_space<vmem>>, vector<1x16xf32>,
    %get3A_78 = vector.shape_cast %get3A_77 : vector<1x16xf32> to vector<16xf32>
    %select_n3A_79 = arith.select %eq3A_73, %get3A_78, %select_n3A_70 : vector<16xi1>, vector<16xf32>
    %swap3A = arith.constant 0 : index
    %swap3A_80 = tpu.vector_load %arg9[%swap3A] {strides = array<i32>} : memref<16384xf32, #tpu.memory_space<vmem>>, vector<16xf32>,
    %swap3A_81 = vector.shape_cast %swap3A_80 : vector<16xf32> to vector<16xf32>
    %swap3A_82 = vector.shape_cast %select_n3A_79 : vector<16xf32> to vector<16xf32>
    tpu.vector_store %arg9[%swap3A], %swap3A_82 {strides = array<i32>} : memref<16384xf32, #tpu.memory_space<vmem>>, vector<16xf32>,
    %get3A_83 = arith.constant 16 : index
    %get3A_84 = tpu.vector_load %arg7[%get3A_83] {strides = array<i32>} : memref<256xi32, #tpu.memory_space<vmem>>, vector<16xi32>,
    %get3A_85 = vector.shape_cast %get3A_84 : vector<16xi32> to vector<16xi32>
    %get3A_86 = arith.constant 16 : index
    %get3A_87 = tpu.vector_load %arg8[%get3A_86] {strides = array<i32>} : memref<256xi32, #tpu.memory_space<vmem>>, vector<16xi32>,
    %get3A_88 = vector.shape_cast %get3A_87 : vector<16xi32> to vector<16xi32>
    %select_n3A_89 = arith.select %lt3A_2, %get3A_85, %get3A_88 : vector<16xi32>
    %broadcast_in_dim3A_90 = arith.constant 0.000000e+00 : f32
    %broadcast_in_dim3A_91 = vector.broadcast %broadcast_in_dim3A_90 : f32 to vector<16xf32>
    %eq3A_92 = arith.constant 0 : i32
    %eq3A_93 = vector.broadcast %eq3A_92 : i32 to vector<16xi32>
    %eq3A_94 = arith.cmpi eq, %select_n3A_89, %eq3A_93 : vector<16xi32>
    %get3A_95 = arith.constant 0 : i32
    %get3A_96 = arith.index_cast %get3A_95 : i32 to index
    %get3A_97 = arith.constant 0 : index
    %get3A_98 = tpu.vector_load %arg6[%get3A_96, %get3A_97] {strides = array<i32>} : memref<8x16xf32, #tpu.memory_space<vmem>>, vector<1x16xf32>,
    %get3A_99 = vector.shape_cast %get3A_98 : vector<1x16xf32> to vector<16xf32>
    %select_n3A_100 = arith.select %eq3A_94, %get3A_99, %broadcast_in_dim3A_91 : vector<16xi1>, vector<16xf32>
    %eq3A_101 = arith.constant 1 : i32
    %eq3A_102 = vector.broadcast %eq3A_101 : i32 to vector<16xi32>
    %eq3A_103 = arith.cmpi eq, %select_n3A_89, %eq3A_102 : vector<16xi32>
    %get3A_104 = arith.constant 1 : i32
    %get3A_105 = arith.index_cast %get3A_104 : i32 to index
    %get3A_106 = arith.constant 0 : index
    %get3A_107 = tpu.vector_load %arg6[%get3A_105, %get3A_106] {strides = array<i32>} : memref<8x16xf32, #tpu.memory_space<vmem>>, vector<1x16xf32>,
    %get3A_108 = vector.shape_cast %get3A_107 : vector<1x16xf32> to vector<16xf32>
    %select_n3A_109 = arith.select %eq3A_103, %get3A_108, %select_n3A_100 : vector<16xi1>, vector<16xf32>
    %eq3A_110 = arith.constant 2 : i32
    %eq3A_111 = vector.broadcast %eq3A_110 : i32 to vector<16xi32>
    %eq3A_112 = arith.cmpi eq, %select_n3A_89, %eq3A_111 : vector<16xi32>
    %get3A_113 = arith.constant 2 : i32
    %get3A_114 = arith.index_cast %get3A_113 : i32 to index
    %get3A_115 = arith.constant 0 : index
    %get3A_116 = tpu.vector_load %arg6[%get3A_114, %get3A_115] {strides = array<i32>} : memref<8x16xf32, #tpu.memory_space<vmem>>, vector<1x16xf32>,
    %get3A_117 = vector.shape_cast %get3A_116 : vector<1x16xf32> to vector<16xf32>
    %select_n3A_118 = arith.select %eq3A_112, %get3A_117, %select_n3A_109 : vector<16xi1>, vector<16xf32>
    %eq3A_119 = arith.constant 3 : i32
    %eq3A_120 = vector.broadcast %eq3A_119 : i32 to vector<16xi32>
    %eq3A_121 = arith.cmpi eq, %select_n3A_89, %eq3A_120 : vector<16xi32>
    %get3A_122 = arith.constant 3 : i32
    %get3A_123 = arith.index_cast %get3A_122 : i32 to index
    %get3A_124 = arith.constant 0 : index
    %get3A_125 = tpu.vector_load %arg6[%get3A_123, %get3A_124] {strides = array<i32>} : memref<8x16xf32, #tpu.memory_space<vmem>>, vector<1x16xf32>,
    %get3A_126 = vector.shape_cast %get3A_125 : vector<1x16xf32> to vector<16xf32>
    %select_n3A_127 = arith.select %eq3A_121, %get3A_126, %select_n3A_118 : vector<16xi1>, vector<16xf32>
    %eq3A_128 = arith.constant 4 : i32
    %eq3A_129 = vector.broadcast %eq3A_128 : i32 to vector<16xi32>
    %eq3A_130 = arith.cmpi eq, %select_n3A_89, %eq3A_129 : vector<16xi32>
    %get3A_131 = arith.constant 4 : i32
    %get3A_132 = arith.index_cast %get3A_131 : i32 to index
    %get3A_133 = arith.constant 0 : index
    %get3A_134 = tpu.vector_load %arg6[%get3A_132, %get3A_133] {strides = array<i32>} : memref<8x16xf32, #tpu.memory_space<vmem>>, vector<1x16xf32>,
    %get3A_135 = vector.shape_cast %get3A_134 : vector<1x16xf32> to vector<16xf32>
    %select_n3A_136 = arith.select %eq3A_130, %get3A_135, %select_n3A_127 : vector<16xi1>, vector<16xf32>
    %eq3A_137 = arith.constant 5 : i32
    %eq3A_138 = vector.broadcast %eq3A_137 : i32 to vector<16xi32>
    %eq3A_139 = arith.cmpi eq, %select_n3A_89, %eq3A_138 : vector<16xi32>
    %get3A_140 = arith.constant 5 : i32
    %get3A_141 = arith.index_cast %get3A_140 : i32 to index
    %get3A_142 = arith.constant 0 : index
    %get3A_143 = tpu.vector_load %arg6[%get3A_141, %get3A_142] {strides = array<i32>} : memref<8x16xf32, #tpu.memory_space<vmem>>, vector<1x16xf32>,
    %get3A_144 = vector.shape_cast %get3A_143 : vector<1x16xf32> to vector<16xf32>
    %select_n3A_145 = arith.select %eq3A_139, %get3A_144, %select_n3A_136 : vector<16xi1>, vector<16xf32>
    %eq3A_146 = arith.constant 6 : i32
    %eq3A_147 = vector.broadcast %eq3A_146 : i32 to vector<16xi32>
    %eq3A_148 = arith.cmpi eq, %select_n3A_89, %eq3A_147 : vector<16xi32>
    %get3A_149 = arith.constant 6 : i32
    %get3A_150 = arith.index_cast %get3A_149 : i32 to index
    %get3A_151 = arith.constant 0 : index
    %get3A_152 = tpu.vector_load %arg6[%get3A_150, %get3A_151] {strides = array<i32>} : memref<8x16xf32, #tpu.memory_space<vmem>>, vector<1x16xf32>,
    %get3A_153 = vector.shape_cast %get3A_152 : vector<1x16xf32> to vector<16xf32>
    %select_n3A_154 = arith.select %eq3A_148, %get3A_153, %select_n3A_145 : vector<16xi1>, vector<16xf32>
    %eq3A_155 = arith.constant 7 : i32
    %eq3A_156 = vector.broadcast %eq3A_155 : i32 to vector<16xi32>
    %eq3A_157 = arith.cmpi eq, %select_n3A_89, %eq3A_156 : vector<16xi32>
    %get3A_158 = arith.constant 7 : i32
    %get3A_159 = arith.index_cast %get3A_158 : i32 to index
    %get3A_160 = arith.constant 0 : index
    %get3A_161 = tpu.vector_load %arg6[%get3A_159, %get3A_160] {strides = array<i32>} : memref<8x16xf32, #tpu.memory_space<vmem>>, vector<1x16xf32>,
    %get3A_162 = vector.shape_cast %get3A_161 : vector<1x16xf32> to vector<16xf32>
    %select_n3A_163 = arith.select %eq3A_157, %get3A_162, %select_n3A_154 : vector<16xi1>, vector<16xf32>
    %swap3A_164 = arith.constant 16 : index
    %swap3A_165 = tpu.vector_load %arg9[%swap3A_164] {strides = array<i32>} : memref<16384xf32, #tpu.memory_space<vmem>>, vector<16xf32>,
    %swap3A_166 = vector.shape_cast %swap3A_165 : vector<16xf32> to vector<16xf32>
    %swap3A_167 = vector.shape_cast %select_n3A_163 : vector<16xf32> to vector<16xf32>
    tpu.vector_store %arg9[%swap3A_164], %swap3A_167 {strides = array<i32>} : memref<16384xf32, #tpu.memory_space<vmem>>, vector<16xf32>,
    %get3A_168 = arith.constant 32 : index
    %get3A_169 = tpu.vector_load %arg7[%get3A_168] {strides = array<i32>} : memref<256xi32, #tpu.memory_space<vmem>>, vector<16xi32>,
    %get3A_170 = vector.shape_cast %get3A_169 : vector<16xi32> to vector<16xi32>
    %get3A_171 = arith.constant 32 : index
    %get3A_172 = tpu.vector_load %arg8[%get3A_171] {strides = array<i32>} : memref<256xi32, #tpu.memory_space<vmem>>, vector<16xi32>,
    %get3A_173 = vector.shape_cast %get3A_172 : vector<16xi32> to vector<16xi32>
    %select_n3A_174 = arith.select %lt3A_2, %get3A_170, %get3A_173 : vector<16xi32>
    %broadcast_in_dim3A_175 = arith.constant 0.000000e+00 : f32
    %broadcast_in_dim3A_176 = vector.broadcast %broadcast_in_dim3A_175 : f32 to vector<16xf32>
    %eq3A_177 = arith.constant 0 : i32
    %eq3A_178 = vector.broadcast %eq3A_177 : i32 to vector<16xi32>
    %eq3A_179 = arith.cmpi eq, %select_n3A_174, %eq3A_178 : vector<16xi32>
    %get3A_180 = arith.constant 0 : i32
    %get3A_181 = arith.index_cast %get3A_180 : i32 to index
    %get3A_182 = arith.constant 0 : index
    %get3A_183 = tpu.vector_load %arg6[%get3A_181, %get3A_182] {strides = array<i32>} : memref<8x16xf32, #tpu.memory_space<vmem>>, vector<1x16xf32>,
    %get3A_184 = vector.shape_cast %get3A_183 : vector<1x16xf32> to vector<16xf32>
    %select_n3A_185 = arith.select %eq3A_179, %get3A_184, %broadcast_in_dim3A_176 : vector<16xi1>, vector<16xf32>
    %eq3A_186 = arith.constant 1 : i32
    %eq3A_187 = vector.broadcast %eq3A_186 : i32 to vector<16xi32>
    %eq3A_188 = arith.cmpi eq, %select_n3A_174, %eq3A_187 : vector<16xi32>
    %get3A_189 = arith.constant 1 : i32
    %get3A_190 = arith.index_cast %get3A_189 : i32 to index
    %get3A_191 = arith.constant 0 : index
    %get3A_192 = tpu.vector_load %arg6[%get3A_190, %get3A_191] {strides = array<i32>} : memref<8x16xf32, #tpu.memory_space<vmem>>, vector<1x16xf32>,
    %get3A_193 = vector.shape_cast %get3A_192 : vector<1x16xf32> to vector<16xf32>
    %select_n3A_194 = arith.select %eq3A_188, %get3A_193, %select_n3A_185 : vector<16xi1>, vector<16xf32>
    %eq3A_195 = arith.constant 2 : i32
    %eq3A_196 = vector.broadcast %eq3A_195 : i32 to vector<16xi32>
    %eq3A_197 = arith.cmpi eq, %select_n3A_174, %eq3A_196 : vector<16xi32>
    %get3A_198 = arith.constant 2 : i32
    %get3A_199 = arith.index_cast %get3A_198 : i32 to index
    %get3A_200 = arith.constant 0 : index
    %get3A_201 = tpu.vector_load %arg6[%get3A_199, %get3A_200] {strides = array<i32>} : memref<8x16xf32, #tpu.memory_space<vmem>>, vector<1x16xf32>,
    %get3A_202 = vector.shape_cast %get3A_201 : vector<1x16xf32> to vector<16xf32>
    %select_n3A_203 = arith.select %eq3A_197, %get3A_202, %select_n3A_194 : vector<16xi1>, vector<16xf32>
    %eq3A_204 = arith.constant 3 : i32
    %eq3A_205 = vector.broadcast %eq3A_204 : i32 to vector<16xi32>
    %eq3A_206 = arith.cmpi eq, %select_n3A_174, %eq3A_205 : vector<16xi32>
    %get3A_207 = arith.constant 3 : i32
    %get3A_208 = arith.index_cast %get3A_207 : i32 to index
    %get3A_209 = arith.constant 0 : index
    %get3A_210 = tpu.vector_load %arg6[%get3A_208, %get3A_209] {strides = array<i32>} : memref<8x16xf32, #tpu.memory_space<vmem>>, vector<1x16xf32>,
    %get3A_211 = vector.shape_cast %get3A_210 : vector<1x16xf32> to vector<16xf32>
    %select_n3A_212 = arith.select %eq3A_206, %get3A_211, %select_n3A_203 : vector<16xi1>, vector<16xf32>
    %eq3A_213 = arith.constant 4 : i32
    %eq3A_214 = vector.broadcast %eq3A_213 : i32 to vector<16xi32>
    %eq3A_215 = arith.cmpi eq, %select_n3A_174, %eq3A_214 : vector<16xi32>
    %get3A_216 = arith.constant 4 : i32
    %get3A_217 = arith.index_cast %get3A_216 : i32 to index
    %get3A_218 = arith.constant 0 : index
    %get3A_219 = tpu.vector_load %arg6[%get3A_217, %get3A_218] {strides = array<i32>} : memref<8x16xf32, #tpu.memory_space<vmem>>, vector<1x16xf32>,
    %get3A_220 = vector.shape_cast %get3A_219 : vector<1x16xf32> to vector<16xf32>
    %select_n3A_221 = arith.select %eq3A_215, %get3A_220, %select_n3A_212 : vector<16xi1>, vector<16xf32>
    %eq3A_222 = arith.constant 5 : i32
    %eq3A_223 = vector.broadcast %eq3A_222 : i32 to vector<16xi32>
    %eq3A_224 = arith.cmpi eq, %select_n3A_174, %eq3A_223 : vector<16xi32>
    %get3A_225 = arith.constant 5 : i32
    %get3A_226 = arith.index_cast %get3A_225 : i32 to index
    %get3A_227 = arith.constant 0 : index
    %get3A_228 = tpu.vector_load %arg6[%get3A_226, %get3A_227] {strides = array<i32>} : memref<8x16xf32, #tpu.memory_space<vmem>>, vector<1x16xf32>,
    %get3A_229 = vector.shape_cast %get3A_228 : vector<1x16xf32> to vector<16xf32>
    %select_n3A_230 = arith.select %eq3A_224, %get3A_229, %select_n3A_221 : vector<16xi1>, vector<16xf32>
    %eq3A_231 = arith.constant 6 : i32
    %eq3A_232 = vector.broadcast %eq3A_231 : i32 to vector<16xi32>
    %eq3A_233 = arith.cmpi eq, %select_n3A_174, %eq3A_232 : vector<16xi32>
    %get3A_234 = arith.constant 6 : i32
    %get3A_235 = arith.index_cast %get3A_234 : i32 to index
    %get3A_236 = arith.constant 0 : index
    %get3A_237 = tpu.vector_load %arg6[%get3A_235, %get3A_236] {strides = array<i32>} : memref<8x16xf32, #tpu.memory_space<vmem>>, vector<1x16xf32>,
    %get3A_238 = vector.shape_cast %get3A_237 : vector<1x16xf32> to vector<16xf32>
    %select_n3A_239 = arith.select %eq3A_233, %get3A_238, %select_n3A_230 : vector<16xi1>, vector<16xf32>
    %eq3A_240 = arith.constant 7 : i32
    %eq3A_241 = vector.broadcast %eq3A_240 : i32 to vector<16xi32>
    %eq3A_242 = arith.cmpi eq, %select_n3A_174, %eq3A_241 : vector<16xi32>
    %get3A_243 = arith.constant 7 : i32
    %get3A_244 = arith.index_cast %get3A_243 : i32 to index
    %get3A_245 = arith.constant 0 : index
    %get3A_246 = tpu.vector_load %arg6[%get3A_244, %get3A_245] {strides = array<i32>} : memref<8x16xf32, #tpu.memory_space<vmem>>, vector<1x16xf32>,
    %get3A_247 = vector.shape_cast %get3A_246 : vector<1x16xf32> to vector<16xf32>
    %select_n3A_248 = arith.select %eq3A_242, %get3A_247, %select_n3A_239 : vector<16xi1>, vector<16xf32>
    %swap3A_249 = arith.constant 32 : index
    %swap3A_250 = tpu.vector_load %arg9[%swap3A_249] {strides = array<i32>} : memref<16384xf32, #tpu.memory_space<vmem>>, vector<16xf32>,
    %swap3A_251 = vector.shape_cast %swap3A_250 : vector<16xf32> to vector<16xf32>
    %swap3A_252 = vector.shape_cast %select_n3A_248 : vector<16xf32> to vector<16xf32>
    tpu.vector_store %arg9[%swap3A_249], %swap3A_252 {strides = array<i32>} : memref<16384xf32, #tpu.memory_space<vmem>>, vector<16xf32>,
    %get3A_253 = arith.constant 48 : index
    %get3A_254 = tpu.vector_load %arg7[%get3A_253] {strides = array<i32>} : memref<256xi32, #tpu.memory_space<vmem>>, vector<16xi32>,
    %get3A_255 = vector.shape_cast %get3A_254 : vector<16xi32> to vector<16xi32>
    %get3A_256 = arith.constant 48 : index
    %get3A_257 = tpu.vector_load %arg8[%get3A_256] {strides = array<i32>} : memref<256xi32, #tpu.memory_space<vmem>>, vector<16xi32>,
    %get3A_258 = vector.shape_cast %get3A_257 : vector<16xi32> to vector<16xi32>
    %select_n3A_259 = arith.select %lt3A_2, %get3A_255, %get3A_258 : vector<16xi32>
    %broadcast_in_dim3A_260 = arith.constant 0.000000e+00 : f32
    %broadcast_in_dim3A_261 = vector.broadcast %broadcast_in_dim3A_260 : f32 to vector<16xf32>
    %eq3A_262 = arith.constant 0 : i32
    %eq3A_263 = vector.broadcast %eq3A_262 : i32 to vector<16xi32>
    %eq3A_264 = arith.cmpi eq, %select_n3A_259, %eq3A_263 : vector<16xi32>
    %get3A_265 = arith.constant 0 : i32
    %get3A_266 = arith.index_cast %get3A_265 : i32 to index
    %get3A_267 = arith.constant 0 : index
    %get3A_268 = tpu.vector_load %arg6[%get3A_266, %get3A_267] {strides = array<i32>} : memref<8x16xf32, #tpu.memory_space<vmem>>, vector<1x16xf32>,
    %get3A_269 = vector.shape_cast %get3A_268 : vector<1x16xf32> to vector<16xf32>
    %select_n3A_270 = arith.select %eq3A_264, %get3A_269, %broadcast_in_dim3A_261 : vector<16xi1>, vector<16xf32>
    %eq3A_271 = arith.constant 1 : i32
    %eq3A_272 = vector.broadcast %eq3A_271 : i32 to vector<16xi32>
    %eq3A_273 = arith.cmpi eq, %select_n3A_259, %eq3A_272 : vector<16xi32>
    %get3A_274 = arith.constant 1 : i32
    %get3A_275 = arith.index_cast %get3A_274 : i32 to index
    %get3A_276 = arith.constant 0 : index
    %get3A_277 = tpu.vector_load %arg6[%get3A_275, %get3A_276] {strides = array<i32>} : memref<8x16xf32, #tpu.memory_space<vmem>>, vector<1x16xf32>,
    %get3A_278 = vector.shape_cast %get3A_277 : vector<1x16xf32> to vector<16xf32>
    %select_n3A_279 = arith.select %eq3A_273, %get3A_278, %select_n3A_270 : vector<16xi1>, vector<16xf32>
    %eq3A_280 = arith.constant 2 : i32
    %eq3A_281 = vector.broadcast %eq3A_280 : i32 to vector<16xi32>
    %eq3A_282 = arith.cmpi eq, %select_n3A_259, %eq3A_281 : vector<16xi32>
    %get3A_283 = arith.constant 2 : i32
    %get3A_284 = arith.index_cast %get3A_283 : i32 to index
    %get3A_285 = arith.constant 0 : index
    %get3A_286 = tpu.vector_load %arg6[%get3A_284, %get3A_285] {strides = array<i32>} : memref<8x16xf32, #tpu.memory_space<vmem>>, vector<1x16xf32>,
    %get3A_287 = vector.shape_cast %get3A_286 : vector<1x16xf32> to vector<16xf32>
    %select_n3A_288 = arith.select %eq3A_282, %get3A_287, %select_n3A_279 : vector<16xi1>, vector<16xf32>
    %eq3A_289 = arith.constant 3 : i32
    %eq3A_290 = vector.broadcast %eq3A_289 : i32 to vector<16xi32>
    %eq3A_291 = arith.cmpi eq, %select_n3A_259, %eq3A_290 : vector<16xi32>
    %get3A_292 = arith.constant 3 : i32
    %get3A_293 = arith.index_cast %get3A_292 : i32 to index
    %get3A_294 = arith.constant 0 : index
    %get3A_295 = tpu.vector_load %arg6[%get3A_293, %get3A_294] {strides = array<i32>} : memref<8x16xf32, #tpu.memory_space<vmem>>, vector<1x16xf32>,
    %get3A_296 = vector.shape_cast %get3A_295 : vector<1x16xf32> to vector<16xf32>
    %select_n3A_297 = arith.select %eq3A_291, %get3A_296, %select_n3A_288 : vector<16xi1>, vector<16xf32>
    %eq3A_298 = arith.constant 4 : i32
    %eq3A_299 = vector.broadcast %eq3A_298 : i32 to vector<16xi32>
    %eq3A_300 = arith.cmpi eq, %select_n3A_259, %eq3A_299 : vector<16xi32>
    %get3A_301 = arith.constant 4 : i32
    %get3A_302 = arith.index_cast %get3A_301 : i32 to index
    %get3A_303 = arith.constant 0 : index
    %get3A_304 = tpu.vector_load %arg6[%get3A_302, %get3A_303] {strides = array<i32>} : memref<8x16xf32, #tpu.memory_space<vmem>>, vector<1x16xf32>,
    %get3A_305 = vector.shape_cast %get3A_304 : vector<1x16xf32> to vector<16xf32>
    %select_n3A_306 = arith.select %eq3A_300, %get3A_305, %select_n3A_297 : vector<16xi1>, vector<16xf32>
    %eq3A_307 = arith.constant 5 : i32
    %eq3A_308 = vector.broadcast %eq3A_307 : i32 to vector<16xi32>
    %eq3A_309 = arith.cmpi eq, %select_n3A_259, %eq3A_308 : vector<16xi32>
    %get3A_310 = arith.constant 5 : i32
    %get3A_311 = arith.index_cast %get3A_310 : i32 to index
    %get3A_312 = arith.constant 0 : index
    %get3A_313 = tpu.vector_load %arg6[%get3A_311, %get3A_312] {strides = array<i32>} : memref<8x16xf32, #tpu.memory_space<vmem>>, vector<1x16xf32>,
    %get3A_314 = vector.shape_cast %get3A_313 : vector<1x16xf32> to vector<16xf32>
    %select_n3A_315 = arith.select %eq3A_309, %get3A_314, %select_n3A_306 : vector<16xi1>, vector<16xf32>
    %eq3A_316 = arith.constant 6 : i32
    %eq3A_317 = vector.broadcast %eq3A_316 : i32 to vector<16xi32>
    %eq3A_318 = arith.cmpi eq, %select_n3A_259, %eq3A_317 : vector<16xi32>
    %get3A_319 = arith.constant 6 : i32
    %get3A_320 = arith.index_cast %get3A_319 : i32 to index
    %get3A_321 = arith.constant 0 : index
    %get3A_322 = tpu.vector_load %arg6[%get3A_320, %get3A_321] {strides = array<i32>} : memref<8x16xf32, #tpu.memory_space<vmem>>, vector<1x16xf32>,
    %get3A_323 = vector.shape_cast %get3A_322 : vector<1x16xf32> to vector<16xf32>
    %select_n3A_324 = arith.select %eq3A_318, %get3A_323, %select_n3A_315 : vector<16xi1>, vector<16xf32>
    %eq3A_325 = arith.constant 7 : i32
    %eq3A_326 = vector.broadcast %eq3A_325 : i32 to vector<16xi32>
    %eq3A_327 = arith.cmpi eq, %select_n3A_259, %eq3A_326 : vector<16xi32>
    %get3A_328 = arith.constant 7 : i32
    %get3A_329 = arith.index_cast %get3A_328 : i32 to index
    %get3A_330 = arith.constant 0 : index
    %get3A_331 = tpu.vector_load %arg6[%get3A_329, %get3A_330] {strides = array<i32>} : memref<8x16xf32, #tpu.memory_space<vmem>>, vector<1x16xf32>,
    %get3A_332 = vector.shape_cast %get3A_331 : vector<1x16xf32> to vector<16xf32>
    %select_n3A_333 = arith.select %eq3A_327, %get3A_332, %select_n3A_324 : vector<16xi1>, vector<16xf32>
    %swap3A_334 = arith.constant 48 : index
    %swap3A_335 = tpu.vector_load %arg9[%swap3A_334] {strides = array<i32>} : memref<16384xf32, #tpu.memory_space<vmem>>, vector<16xf32>,
    %swap3A_336 = vector.shape_cast %swap3A_335 : vector<16xf32> to vector<16xf32>
    %swap3A_337 = vector.shape_cast %select_n3A_333 : vector<16xf32> to vector<16xf32>
    tpu.vector_store %arg9[%swap3A_334], %swap3A_337 {strides = array<i32>} : memref<16384xf32, #tpu.memory_space<vmem>>, vector<16xf32>,
    %get3A_338 = arith.constant 64 : index
    %get3A_339 = tpu.vector_load %arg7[%get3A_338] {strides = array<i32>} : memref<256xi32, #tpu.memory_space<vmem>>, vector<16xi32>,
    %get3A_340 = vector.shape_cast %get3A_339 : vector<16xi32> to vector<16xi32>
    %get3A_341 = arith.constant 64 : index
    %get3A_342 = tpu.vector_load %arg8[%get3A_341] {strides = array<i32>} : memref<256xi32, #tpu.memory_space<vmem>>, vector<16xi32>,
    %get3A_343 = vector.shape_cast %get3A_342 : vector<16xi32> to vector<16xi32>
    %select_n3A_344 = arith.select %lt3A_2, %get3A_340, %get3A_343 : vector<16xi32>
    %broadcast_in_dim3A_345 = arith.constant 0.000000e+00 : f32
    %broadcast_in_dim3A_346 = vector.broadcast %broadcast_in_dim3A_345 : f32 to vector<16xf32>
    %eq3A_347 = arith.constant 0 : i32
    %eq3A_348 = vector.broadcast %eq3A_347 : i32 to vector<16xi32>
    %eq3A_349 = arith.cmpi eq, %select_n3A_344, %eq3A_348 : vector<16xi32>
    %get3A_350 = arith.constant 0 : i32
    %get3A_351 = arith.index_cast %get3A_350 : i32 to index
    %get3A_352 = arith.constant 0 : index
    %get3A_353 = tpu.vector_load %arg6[%get3A_351, %get3A_352] {strides = array<i32>} : memref<8x16xf32, #tpu.memory_space<vmem>>, vector<1x16xf32>,
    %get3A_354 = vector.shape_cast %get3A_353 : vector<1x16xf32> to vector<16xf32>
    %select_n3A_355 = arith.select %eq3A_349, %get3A_354, %broadcast_in_dim3A_346 : vector<16xi1>, vector<16xf32>
    %eq3A_356 = arith.constant 1 : i32
    %eq3A_357 = vector.broadcast %eq3A_356 : i32 to vector<16xi32>
    %eq3A_358 = arith.cmpi eq, %select_n3A_344, %eq3A_357 : vector<16xi32>
    %get3A_359 = arith.constant 1 : i32
    %get3A_360 = arith.index_cast %get3A_359 : i32 to index
    %get3A_361 = arith.constant 0 : index
    %get3A_362 = tpu.vector_load %arg6[%get3A_360, %get3A_361] {strides = array<i32>} : memref<8x16xf32, #tpu.memory_space<vmem>>, vector<1x16xf32>,
    %get3A_363 = vector.shape_cast %get3A_362 : vector<1x16xf32> to vector<16xf32>
    %select_n3A_364 = arith.select %eq3A_358, %get3A_363, %select_n3A_355 : vector<16xi1>, vector<16xf32>
    %eq3A_365 = arith.constant 2 : i32
    %eq3A_366 = vector.broadcast %eq3A_365 : i32 to vector<16xi32>
    %eq3A_367 = arith.cmpi eq, %select_n3A_344, %eq3A_366 : vector<16xi32>
    %get3A_368 = arith.constant 2 : i32
    %get3A_369 = arith.index_cast %get3A_368 : i32 to index
    %get3A_370 = arith.constant 0 : index
    %get3A_371 = tpu.vector_load %arg6[%get3A_369, %get3A_370] {strides = array<i32>} : memref<8x16xf32, #tpu.memory_space<vmem>>, vector<1x16xf32>,
    %get3A_372 = vector.shape_cast %get3A_371 : vector<1x16xf32> to vector<16xf32>
    %select_n3A_373 = arith.select %eq3A_367, %get3A_372, %select_n3A_364 : vector<16xi1>, vector<16xf32>
    %eq3A_374 = arith.constant 3 : i32
    %eq3A_375 = vector.broadcast %eq3A_374 : i32 to vector<16xi32>
    %eq3A_376 = arith.cmpi eq, %select_n3A_344, %eq3A_375 : vector<16xi32>
    %get3A_377 = arith.constant 3 : i32
    %get3A_378 = arith.index_cast %get3A_377 : i32 to index
    %get3A_379 = arith.constant 0 : index
    %get3A_380 = tpu.vector_load %arg6[%get3A_378, %get3A_379] {strides = array<i32>} : memref<8x16xf32, #tpu.memory_space<vmem>>, vector<1x16xf32>,
    %get3A_381 = vector.shape_cast %get3A_380 : vector<1x16xf32> to vector<16xf32>
    %select_n3A_382 = arith.select %eq3A_376, %get3A_381, %select_n3A_373 : vector<16xi1>, vector<16xf32>
    %eq3A_383 = arith.constant 4 : i32
    %eq3A_384 = vector.broadcast %eq3A_383 : i32 to vector<16xi32>
    %eq3A_385 = arith.cmpi eq, %select_n3A_344, %eq3A_384 : vector<16xi32>
    %get3A_386 = arith.constant 4 : i32
    %get3A_387 = arith.index_cast %get3A_386 : i32 to index
    %get3A_388 = arith.constant 0 : index
    %get3A_389 = tpu.vector_load %arg6[%get3A_387, %get3A_388] {strides = array<i32>} : memref<8x16xf32, #tpu.memory_space<vmem>>, vector<1x16xf32>,
    %get3A_390 = vector.shape_cast %get3A_389 : vector<1x16xf32> to vector<16xf32>
    %select_n3A_391 = arith.select %eq3A_385, %get3A_390, %select_n3A_382 : vector<16xi1>, vector<16xf32>
    %eq3A_392 = arith.constant 5 : i32
    %eq3A_393 = vector.broadcast %eq3A_392 : i32 to vector<16xi32>
    %eq3A_394 = arith.cmpi eq, %select_n3A_344, %eq3A_393 : vector<16xi32>
    %get3A_395 = arith.constant 5 : i32
    %get3A_396 = arith.index_cast %get3A_395 : i32 to index
    %get3A_397 = arith.constant 0 : index
    %get3A_398 = tpu.vector_load %arg6[%get3A_396, %get3A_397] {strides = array<i32>} : memref<8x16xf32, #tpu.memory_space<vmem>>, vector<1x16xf32>,
    %get3A_399 = vector.shape_cast %get3A_398 : vector<1x16xf32> to vector<16xf32>
    %select_n3A_400 = arith.select %eq3A_394, %get3A_399, %select_n3A_391 : vector<16xi1>, vector<16xf32>
    %eq3A_401 = arith.constant 6 : i32
    %eq3A_402 = vector.broadcast %eq3A_401 : i32 to vector<16xi32>
    %eq3A_403 = arith.cmpi eq, %select_n3A_344, %eq3A_402 : vector<16xi32>
    %get3A_404 = arith.constant 6 : i32
    %get3A_405 = arith.index_cast %get3A_404 : i32 to index
    %get3A_406 = arith.constant 0 : index
    %get3A_407 = tpu.vector_load %arg6[%get3A_405, %get3A_406] {strides = array<i32>} : memref<8x16xf32, #tpu.memory_space<vmem>>, vector<1x16xf32>,
    %get3A_408 = vector.shape_cast %get3A_407 : vector<1x16xf32> to vector<16xf32>
    %select_n3A_409 = arith.select %eq3A_403, %get3A_408, %select_n3A_400 : vector<16xi1>, vector<16xf32>
    %eq3A_410 = arith.constant 7 : i32
    %eq3A_411 = vector.broadcast %eq3A_410 : i32 to vector<16xi32>
    %eq3A_412 = arith.cmpi eq, %select_n3A_344, %eq3A_411 : vector<16xi32>
    %get3A_413 = arith.constant 7 : i32
    %get3A_414 = arith.index_cast %get3A_413 : i32 to index
    %get3A_415 = arith.constant 0 : index
    %get3A_416 = tpu.vector_load %arg6[%get3A_414, %get3A_415] {strides = array<i32>} : memref<8x16xf32, #tpu.memory_space<vmem>>, vector<1x16xf32>,
    %get3A_417 = vector.shape_cast %get3A_416 : vector<1x16xf32> to vector<16xf32>
    %select_n3A_418 = arith.select %eq3A_412, %get3A_417, %select_n3A_409 : vector<16xi1>, vector<16xf32>
    %swap3A_419 = arith.constant 64 : index
    %swap3A_420 = tpu.vector_load %arg9[%swap3A_419] {strides = array<i32>} : memref<16384xf32, #tpu.memory_space<vmem>>, vector<16xf32>,
    %swap3A_421 = vector.shape_cast %swap3A_420 : vector<16xf32> to vector<16xf32>
    %swap3A_422 = vector.shape_cast %select_n3A_418 : vector<16xf32> to vector<16xf32>
    tpu.vector_store %arg9[%swap3A_419], %swap3A_422 {strides = array<i32>} : memref<16384xf32, #tpu.memory_space<vmem>>, vector<16xf32>,
    %get3A_423 = arith.constant 80 : index
    %get3A_424 = tpu.vector_load %arg7[%get3A_423] {strides = array<i32>} : memref<256xi32, #tpu.memory_space<vmem>>, vector<16xi32>,
    %get3A_425 = vector.shape_cast %get3A_424 : vector<16xi32> to vector<16xi32>
    %get3A_426 = arith.constant 80 : index
    %get3A_427 = tpu.vector_load %arg8[%get3A_426] {strides = array<i32>} : memref<256xi32, #tpu.memory_space<vmem>>, vector<16xi32>,
    %get3A_428 = vector.shape_cast %get3A_427 : vector<16xi32> to vector<16xi32>
    %select_n3A_429 = arith.select %lt3A_2, %get3A_425, %get3A_428 : vector<16xi32>
    %broadcast_in_dim3A_430 = arith.constant 0.000000e+00 : f32
    %broadcast_in_dim3A_431 = vector.broadcast %broadcast_in_dim3A_430 : f32 to vector<16xf32>
    %eq3A_432 = arith.constant 0 : i32
    %eq3A_433 = vector.broadcast %eq3A_432 : i32 to vector<16xi32>
    %eq3A_434 = arith.cmpi eq, %select_n3A_429, %eq3A_433 : vector<16xi32>
    %get3A_435 = arith.constant 0 : i32
    %get3A_436 = arith.index_cast %get3A_435 : i32 to index
    %get3A_437 = arith.constant 0 : index
    %get3A_438 = tpu.vector_load %arg6[%get3A_436, %get3A_437] {strides = array<i32>} : memref<8x16xf32, #tpu.memory_space<vmem>>, vector<1x16xf32>,
    %get3A_439 = vector.shape_cast %get3A_438 : vector<1x16xf32> to vector<16xf32>
    %select_n3A_440 = arith.select %eq3A_434, %get3A_439, %broadcast_in_dim3A_431 : vector<16xi1>, vector<16xf32>
    %eq3A_441 = arith.constant 1 : i32
    %eq3A_442 = vector.broadcast %eq3A_441 : i32 to vector<16xi32>
    %eq3A_443 = arith.cmpi eq, %select_n3A_429, %eq3A_442 : vector<16xi32>
    %get3A_444 = arith.constant 1 : i32
    %get3A_445 = arith.index_cast %get3A_444 : i32 to index
    %get3A_446 = arith.constant 0 : index
    %get3A_447 = tpu.vector_load %arg6[%get3A_445, %get3A_446] {strides = array<i32>} : memref<8x16xf32, #tpu.memory_space<vmem>>, vector<1x16xf32>,
    %get3A_448 = vector.shape_cast %get3A_447 : vector<1x16xf32> to vector<16xf32>
    %select_n3A_449 = arith.select %eq3A_443, %get3A_448, %select_n3A_440 : vector<16xi1>, vector<16xf32>
    %eq3A_450 = arith.constant 2 : i32
    %eq3A_451 = vector.broadcast %eq3A_450 : i32 to vector<16xi32>
    %eq3A_452 = arith.cmpi eq, %select_n3A_429, %eq3A_451 : vector<16xi32>
    %get3A_453 = arith.constant 2 : i32
    %get3A_454 = arith.index_cast %get3A_453 : i32 to index
    %get3A_455 = arith.constant 0 : index
    %get3A_456 = tpu.vector_load %arg6[%get3A_454, %get3A_455] {strides = array<i32>} : memref<8x16xf32, #tpu.memory_space<vmem>>, vector<1x16xf32>,
    %get3A_457 = vector.shape_cast %get3A_456 : vector<1x16xf32> to vector<16xf32>
    %select_n3A_458 = arith.select %eq3A_452, %get3A_457, %select_n3A_449 : vector<16xi1>, vector<16xf32>
    %eq3A_459 = arith.constant 3 : i32
    %eq3A_460 = vector.broadcast %eq3A_459 : i32 to vector<16xi32>
    %eq3A_461 = arith.cmpi eq, %select_n3A_429, %eq3A_460 : vector<16xi32>
    %get3A_462 = arith.constant 3 : i32
    %get3A_463 = arith.index_cast %get3A_462 : i32 to index
    %get3A_464 = arith.constant 0 : index
    %get3A_465 = tpu.vector_load %arg6[%get3A_463, %get3A_464] {strides = array<i32>} : memref<8x16xf32, #tpu.memory_space<vmem>>, vector<1x16xf32>,
    %get3A_466 = vector.shape_cast %get3A_465 : vector<1x16xf32> to vector<16xf32>
    %select_n3A_467 = arith.select %eq3A_461, %get3A_466, %select_n3A_458 : vector<16xi1>, vector<16xf32>
    %eq3A_468 = arith.constant 4 : i32
    %eq3A_469 = vector.broadcast %eq3A_468 : i32 to vector<16xi32>
    %eq3A_470 = arith.cmpi eq, %select_n3A_429, %eq3A_469 : vector<16xi32>
    %get3A_471 = arith.constant 4 : i32
    %get3A_472 = arith.index_cast %get3A_471 : i32 to index
    %get3A_473 = arith.constant 0 : index
    %get3A_474 = tpu.vector_load %arg6[%get3A_472, %get3A_473] {strides = array<i32>} : memref<8x16xf32, #tpu.memory_space<vmem>>, vector<1x16xf32>,
    %get3A_475 = vector.shape_cast %get3A_474 : vector<1x16xf32> to vector<16xf32>
    %select_n3A_476 = arith.select %eq3A_470, %get3A_475, %select_n3A_467 : vector<16xi1>, vector<16xf32>
    %eq3A_477 = arith.constant 5 : i32
    %eq3A_478 = vector.broadcast %eq3A_477 : i32 to vector<16xi32>
    %eq3A_479 = arith.cmpi eq, %select_n3A_429, %eq3A_478 : vector<16xi32>
    %get3A_480 = arith.constant 5 : i32
    %get3A_481 = arith.index_cast %get3A_480 : i32 to index
    %get3A_482 = arith.constant 0 : index
    %get3A_483 = tpu.vector_load %arg6[%get3A_481, %get3A_482] {strides = array<i32>} : memref<8x16xf32, #tpu.memory_space<vmem>>, vector<1x16xf32>,
    %get3A_484 = vector.shape_cast %get3A_483 : vector<1x16xf32> to vector<16xf32>
    %select_n3A_485 = arith.select %eq3A_479, %get3A_484, %select_n3A_476 : vector<16xi1>, vector<16xf32>
    %eq3A_486 = arith.constant 6 : i32
    %eq3A_487 = vector.broadcast %eq3A_486 : i32 to vector<16xi32>
    %eq3A_488 = arith.cmpi eq, %select_n3A_429, %eq3A_487 : vector<16xi32>
    %get3A_489 = arith.constant 6 : i32
    %get3A_490 = arith.index_cast %get3A_489 : i32 to index
    %get3A_491 = arith.constant 0 : index
    %get3A_492 = tpu.vector_load %arg6[%get3A_490, %get3A_491] {strides = array<i32>} : memref<8x16xf32, #tpu.memory_space<vmem>>, vector<1x16xf32>,
    %get3A_493 = vector.shape_cast %get3A_492 : vector<1x16xf32> to vector<16xf32>
    %select_n3A_494 = arith.select %eq3A_488, %get3A_493, %select_n3A_485 : vector<16xi1>, vector<16xf32>
    %eq3A_495 = arith.constant 7 : i32
    %eq3A_496 = vector.broadcast %eq3A_495 : i32 to vector<16xi32>
    %eq3A_497 = arith.cmpi eq, %select_n3A_429, %eq3A_496 : vector<16xi32>
    %get3A_498 = arith.constant 7 : i32
    %get3A_499 = arith.index_cast %get3A_498 : i32 to index
    %get3A_500 = arith.constant 0 : index
    %get3A_501 = tpu.vector_load %arg6[%get3A_499, %get3A_500] {strides = array<i32>} : memref<8x16xf32, #tpu.memory_space<vmem>>, vector<1x16xf32>,
    %get3A_502 = vector.shape_cast %get3A_501 : vector<1x16xf32> to vector<16xf32>
    %select_n3A_503 = arith.select %eq3A_497, %get3A_502, %select_n3A_494 : vector<16xi1>, vector<16xf32>
    %swap3A_504 = arith.constant 80 : index
    %swap3A_505 = tpu.vector_load %arg9[%swap3A_504] {strides = array<i32>} : memref<16384xf32, #tpu.memory_space<vmem>>, vector<16xf32>,
    %swap3A_506 = vector.shape_cast %swap3A_505 : vector<16xf32> to vector<16xf32>
    %swap3A_507 = vector.shape_cast %select_n3A_503 : vector<16xf32> to vector<16xf32>
    tpu.vector_store %arg9[%swap3A_504], %swap3A_507 {strides = array<i32>} : memref<16384xf32, #tpu.memory_space<vmem>>, vector<16xf32>,
    %get3A_508 = arith.constant 96 : index
    %get3A_509 = tpu.vector_load %arg7[%get3A_508] {strides = array<i32>} : memref<256xi32, #tpu.memory_space<vmem>>, vector<16xi32>,
    %get3A_510 = vector.shape_cast %get3A_509 : vector<16xi32> to vector<16xi32>
    %get3A_511 = arith.constant 96 : index
    %get3A_512 = tpu.vector_load %arg8[%get3A_511] {strides = array<i32>} : memref<256xi32, #tpu.memory_space<vmem>>, vector<16xi32>,
    %get3A_513 = vector.shape_cast %get3A_512 : vector<16xi32> to vector<16xi32>
    %select_n3A_514 = arith.select %lt3A_2, %get3A_510, %get3A_513 : vector<16xi32>
    %broadcast_in_dim3A_515 = arith.constant 0.000000e+00 : f32
    %broadcast_in_dim3A_516 = vector.broadcast %broadcast_in_dim3A_515 : f32 to vector<16xf32>
    %eq3A_517 = arith.constant 0 : i32
    %eq3A_518 = vector.broadcast %eq3A_517 : i32 to vector<16xi32>
    %eq3A_519 = arith.cmpi eq, %select_n3A_514, %eq3A_518 : vector<16xi32>
    %get3A_520 = arith.constant 0 : i32
    %get3A_521 = arith.index_cast %get3A_520 : i32 to index
    %get3A_522 = arith.constant 0 : index
    %get3A_523 = tpu.vector_load %arg6[%get3A_521, %get3A_522] {strides = array<i32>} : memref<8x16xf32, #tpu.memory_space<vmem>>, vector<1x16xf32>,
    %get3A_524 = vector.shape_cast %get3A_523 : vector<1x16xf32> to vector<16xf32>
    %select_n3A_525 = arith.select %eq3A_519, %get3A_524, %broadcast_in_dim3A_516 : vector<16xi1>, vector<16xf32>
    %eq3A_526 = arith.constant 1 : i32
    %eq3A_527 = vector.broadcast %eq3A_526 : i32 to vector<16xi32>
    %eq3A_528 = arith.cmpi eq, %select_n3A_514, %eq3A_527 : vector<16xi32>
    %get3A_529 = arith.constant 1 : i32
    %get3A_530 = arith.index_cast %get3A_529 : i32 to index
    %get3A_531 = arith.constant 0 : index
    %get3A_532 = tpu.vector_load %arg6[%get3A_530, %get3A_531] {strides = array<i32>} : memref<8x16xf32, #tpu.memory_space<vmem>>, vector<1x16xf32>,
    %get3A_533 = vector.shape_cast %get3A_532 : vector<1x16xf32> to vector<16xf32>
    %select_n3A_534 = arith.select %eq3A_528, %get3A_533, %select_n3A_525 : vector<16xi1>, vector<16xf32>
    %eq3A_535 = arith.constant 2 : i32
    %eq3A_536 = vector.broadcast %eq3A_535 : i32 to vector<16xi32>
    %eq3A_537 = arith.cmpi eq, %select_n3A_514, %eq3A_536 : vector<16xi32>
    %get3A_538 = arith.constant 2 : i32
    %get3A_539 = arith.index_cast %get3A_538 : i32 to index
    %get3A_540 = arith.constant 0 : index
    %get3A_541 = tpu.vector_load %arg6[%get3A_539, %get3A_540] {strides = array<i32>} : memref<8x16xf32, #tpu.memory_space<vmem>>, vector<1x16xf32>,
    %get3A_542 = vector.shape_cast %get3A_541 : vector<1x16xf32> to vector<16xf32>
    %select_n3A_543 = arith.select %eq3A_537, %get3A_542, %select_n3A_534 : vector<16xi1>, vector<16xf32>
    %eq3A_544 = arith.constant 3 : i32
    %eq3A_545 = vector.broadcast %eq3A_544 : i32 to vector<16xi32>
    %eq3A_546 = arith.cmpi eq, %select_n3A_514, %eq3A_545 : vector<16xi32>
    %get3A_547 = arith.constant 3 : i32
    %get3A_548 = arith.index_cast %get3A_547 : i32 to index
    %get3A_549 = arith.constant 0 : index
    %get3A_550 = tpu.vector_load %arg6[%get3A_548, %get3A_549] {strides = array<i32>} : memref<8x16xf32, #tpu.memory_space<vmem>>, vector<1x16xf32>,
    %get3A_551 = vector.shape_cast %get3A_550 : vector<1x16xf32> to vector<16xf32>
    %select_n3A_552 = arith.select %eq3A_546, %get3A_551, %select_n3A_543 : vector<16xi1>, vector<16xf32>
    %eq3A_553 = arith.constant 4 : i32
    %eq3A_554 = vector.broadcast %eq3A_553 : i32 to vector<16xi32>
    %eq3A_555 = arith.cmpi eq, %select_n3A_514, %eq3A_554 : vector<16xi32>
    %get3A_556 = arith.constant 4 : i32
    %get3A_557 = arith.index_cast %get3A_556 : i32 to index
    %get3A_558 = arith.constant 0 : index
    %get3A_559 = tpu.vector_load %arg6[%get3A_557, %get3A_558] {strides = array<i32>} : memref<8x16xf32, #tpu.memory_space<vmem>>, vector<1x16xf32>,
    %get3A_560 = vector.shape_cast %get3A_559 : vector<1x16xf32> to vector<16xf32>
    %select_n3A_561 = arith.select %eq3A_555, %get3A_560, %select_n3A_552 : vector<16xi1>, vector<16xf32>
    %eq3A_562 = arith.constant 5 : i32
    %eq3A_563 = vector.broadcast %eq3A_562 : i32 to vector<16xi32>
    %eq3A_564 = arith.cmpi eq, %select_n3A_514, %eq3A_563 : vector<16xi32>
    %get3A_565 = arith.constant 5 : i32
    %get3A_566 = arith.index_cast %get3A_565 : i32 to index
    %get3A_567 = arith.constant 0 : index
    %get3A_568 = tpu.vector_load %arg6[%get3A_566, %get3A_567] {strides = array<i32>} : memref<8x16xf32, #tpu.memory_space<vmem>>, vector<1x16xf32>,
    %get3A_569 = vector.shape_cast %get3A_568 : vector<1x16xf32> to vector<16xf32>
    %select_n3A_570 = arith.select %eq3A_564, %get3A_569, %select_n3A_561 : vector<16xi1>, vector<16xf32>
    %eq3A_571 = arith.constant 6 : i32
    %eq3A_572 = vector.broadcast %eq3A_571 : i32 to vector<16xi32>
    %eq3A_573 = arith.cmpi eq, %select_n3A_514, %eq3A_572 : vector<16xi32>
    %get3A_574 = arith.constant 6 : i32
    %get3A_575 = arith.index_cast %get3A_574 : i32 to index
    %get3A_576 = arith.constant 0 : index
    %get3A_577 = tpu.vector_load %arg6[%get3A_575, %get3A_576] {strides = array<i32>} : memref<8x16xf32, #tpu.memory_space<vmem>>, vector<1x16xf32>,
    %get3A_578 = vector.shape_cast %get3A_577 : vector<1x16xf32> to vector<16xf32>
    %select_n3A_579 = arith.select %eq3A_573, %get3A_578, %select_n3A_570 : vector<16xi1>, vector<16xf32>
    %eq3A_580 = arith.constant 7 : i32
    %eq3A_581 = vector.broadcast %eq3A_580 : i32 to vector<16xi32>
    %eq3A_582 = arith.cmpi eq, %select_n3A_514, %eq3A_581 : vector<16xi32>
    %get3A_583 = arith.constant 7 : i32
    %get3A_584 = arith.index_cast %get3A_583 : i32 to index
    %get3A_585 = arith.constant 0 : index
    %get3A_586 = tpu.vector_load %arg6[%get3A_584, %get3A_585] {strides = array<i32>} : memref<8x16xf32, #tpu.memory_space<vmem>>, vector<1x16xf32>,
    %get3A_587 = vector.shape_cast %get3A_586 : vector<1x16xf32> to vector<16xf32>
    %select_n3A_588 = arith.select %eq3A_582, %get3A_587, %select_n3A_579 : vector<16xi1>, vector<16xf32>
    %swap3A_589 = arith.constant 96 : index
    %swap3A_590 = tpu.vector_load %arg9[%swap3A_589] {strides = array<i32>} : memref<16384xf32, #tpu.memory_space<vmem>>, vector<16xf32>,
    %swap3A_591 = vector.shape_cast %swap3A_590 : vector<16xf32> to vector<16xf32>
    %swap3A_592 = vector.shape_cast %select_n3A_588 : vector<16xf32> to vector<16xf32>
    tpu.vector_store %arg9[%swap3A_589], %swap3A_592 {strides = array<i32>} : memref<16384xf32, #tpu.memory_space<vmem>>, vector<16xf32>,
    %get3A_593 = arith.constant 112 : index
    %get3A_594 = tpu.vector_load %arg7[%get3A_593] {strides = array<i32>} : memref<256xi32, #tpu.memory_space<vmem>>, vector<16xi32>,
    %get3A_595 = vector.shape_cast %get3A_594 : vector<16xi32> to vector<16xi32>
    %get3A_596 = arith.constant 112 : index
    %get3A_597 = tpu.vector_load %arg8[%get3A_596] {strides = array<i32>} : memref<256xi32, #tpu.memory_space<vmem>>, vector<16xi32>,
    %get3A_598 = vector.shape_cast %get3A_597 : vector<16xi32> to vector<16xi32>
    %select_n3A_599 = arith.select %lt3A_2, %get3A_595, %get3A_598 : vector<16xi32>
    %broadcast_in_dim3A_600 = arith.constant 0.000000e+00 : f32
    %broadcast_in_dim3A_601 = vector.broadcast %broadcast_in_dim3A_600 : f32 to vector<16xf32>
    %eq3A_602 = arith.constant 0 : i32
    %eq3A_603 = vector.broadcast %eq3A_602 : i32 to vector<16xi32>
    %eq3A_604 = arith.cmpi eq, %select_n3A_599, %eq3A_603 : vector<16xi32>
    %get3A_605 = arith.constant 0 : i32
    %get3A_606 = arith.index_cast %get3A_605 : i32 to index
    %get3A_607 = arith.constant 0 : index
    %get3A_608 = tpu.vector_load %arg6[%get3A_606, %get3A_607] {strides = array<i32>} : memref<8x16xf32, #tpu.memory_space<vmem>>, vector<1x16xf32>,
    %get3A_609 = vector.shape_cast %get3A_608 : vector<1x16xf32> to vector<16xf32>
    %select_n3A_610 = arith.select %eq3A_604, %get3A_609, %broadcast_in_dim3A_601 : vector<16xi1>, vector<16xf32>
    %eq3A_611 = arith.constant 1 : i32
    %eq3A_612 = vector.broadcast %eq3A_611 : i32 to vector<16xi32>
    %eq3A_613 = arith.cmpi eq, %select_n3A_599, %eq3A_612 : vector<16xi32>
    %get3A_614 = arith.constant 1 : i32
    %get3A_615 = arith.index_cast %get3A_614 : i32 to index
    %get3A_616 = arith.constant 0 : index
    %get3A_617 = tpu.vector_load %arg6[%get3A_615, %get3A_616] {strides = array<i32>} : memref<8x16xf32, #tpu.memory_space<vmem>>, vector<1x16xf32>,
    %get3A_618 = vector.shape_cast %get3A_617 : vector<1x16xf32> to vector<16xf32>
    %select_n3A_619 = arith.select %eq3A_613, %get3A_618, %select_n3A_610 : vector<16xi1>, vector<16xf32>
    %eq3A_620 = arith.constant 2 : i32
    %eq3A_621 = vector.broadcast %eq3A_620 : i32 to vector<16xi32>
    %eq3A_622 = arith.cmpi eq, %select_n3A_599, %eq3A_621 : vector<16xi32>
    %get3A_623 = arith.constant 2 : i32
    %get3A_624 = arith.index_cast %get3A_623 : i32 to index
    %get3A_625 = arith.constant 0 : index
    %get3A_626 = tpu.vector_load %arg6[%get3A_624, %get3A_625] {strides = array<i32>} : memref<8x16xf32, #tpu.memory_space<vmem>>, vector<1x16xf32>,
    %get3A_627 = vector.shape_cast %get3A_626 : vector<1x16xf32> to vector<16xf32>
    %select_n3A_628 = arith.select %eq3A_622, %get3A_627, %select_n3A_619 : vector<16xi1>, vector<16xf32>
    %eq3A_629 = arith.constant 3 : i32
    %eq3A_630 = vector.broadcast %eq3A_629 : i32 to vector<16xi32>
    %eq3A_631 = arith.cmpi eq, %select_n3A_599, %eq3A_630 : vector<16xi32>
    %get3A_632 = arith.constant 3 : i32
    %get3A_633 = arith.index_cast %get3A_632 : i32 to index
    %get3A_634 = arith.constant 0 : index
    %get3A_635 = tpu.vector_load %arg6[%get3A_633, %get3A_634] {strides = array<i32>} : memref<8x16xf32, #tpu.memory_space<vmem>>, vector<1x16xf32>,
    %get3A_636 = vector.shape_cast %get3A_635 : vector<1x16xf32> to vector<16xf32>
    %select_n3A_637 = arith.select %eq3A_631, %get3A_636, %select_n3A_628 : vector<16xi1>, vector<16xf32>
    %eq3A_638 = arith.constant 4 : i32
    %eq3A_639 = vector.broadcast %eq3A_638 : i32 to vector<16xi32>
    %eq3A_640 = arith.cmpi eq, %select_n3A_599, %eq3A_639 : vector<16xi32>
    %get3A_641 = arith.constant 4 : i32
    %get3A_642 = arith.index_cast %get3A_641 : i32 to index
    %get3A_643 = arith.constant 0 : index
    %get3A_644 = tpu.vector_load %arg6[%get3A_642, %get3A_643] {strides = array<i32>} : memref<8x16xf32, #tpu.memory_space<vmem>>, vector<1x16xf32>,
    %get3A_645 = vector.shape_cast %get3A_644 : vector<1x16xf32> to vector<16xf32>
    %select_n3A_646 = arith.select %eq3A_640, %get3A_645, %select_n3A_637 : vector<16xi1>, vector<16xf32>
    %eq3A_647 = arith.constant 5 : i32
    %eq3A_648 = vector.broadcast %eq3A_647 : i32 to vector<16xi32>
    %eq3A_649 = arith.cmpi eq, %select_n3A_599, %eq3A_648 : vector<16xi32>
    %get3A_650 = arith.constant 5 : i32
    %get3A_651 = arith.index_cast %get3A_650 : i32 to index
    %get3A_652 = arith.constant 0 : index
    %get3A_653 = tpu.vector_load %arg6[%get3A_651, %get3A_652] {strides = array<i32>} : memref<8x16xf32, #tpu.memory_space<vmem>>, vector<1x16xf32>,
    %get3A_654 = vector.shape_cast %get3A_653 : vector<1x16xf32> to vector<16xf32>
    %select_n3A_655 = arith.select %eq3A_649, %get3A_654, %select_n3A_646 : vector<16xi1>, vector<16xf32>
    %eq3A_656 = arith.constant 6 : i32
    %eq3A_657 = vector.broadcast %eq3A_656 : i32 to vector<16xi32>
    %eq3A_658 = arith.cmpi eq, %select_n3A_599, %eq3A_657 : vector<16xi32>
    %get3A_659 = arith.constant 6 : i32
    %get3A_660 = arith.index_cast %get3A_659 : i32 to index
    %get3A_661 = arith.constant 0 : index
    %get3A_662 = tpu.vector_load %arg6[%get3A_660, %get3A_661] {strides = array<i32>} : memref<8x16xf32, #tpu.memory_space<vmem>>, vector<1x16xf32>,
    %get3A_663 = vector.shape_cast %get3A_662 : vector<1x16xf32> to vector<16xf32>
    %select_n3A_664 = arith.select %eq3A_658, %get3A_663, %select_n3A_655 : vector<16xi1>, vector<16xf32>
    %eq3A_665 = arith.constant 7 : i32
    %eq3A_666 = vector.broadcast %eq3A_665 : i32 to vector<16xi32>
    %eq3A_667 = arith.cmpi eq, %select_n3A_599, %eq3A_666 : vector<16xi32>
    %get3A_668 = arith.constant 7 : i32
    %get3A_669 = arith.index_cast %get3A_668 : i32 to index
    %get3A_670 = arith.constant 0 : index
    %get3A_671 = tpu.vector_load %arg6[%get3A_669, %get3A_670] {strides = array<i32>} : memref<8x16xf32, #tpu.memory_space<vmem>>, vector<1x16xf32>,
    %get3A_672 = vector.shape_cast %get3A_671 : vector<1x16xf32> to vector<16xf32>
    %select_n3A_673 = arith.select %eq3A_667, %get3A_672, %select_n3A_664 : vector<16xi1>, vector<16xf32>
    %swap3A_674 = arith.constant 112 : index
    %swap3A_675 = tpu.vector_load %arg9[%swap3A_674] {strides = array<i32>} : memref<16384xf32, #tpu.memory_space<vmem>>, vector<16xf32>,
    %swap3A_676 = vector.shape_cast %swap3A_675 : vector<16xf32> to vector<16xf32>
    %swap3A_677 = vector.shape_cast %select_n3A_673 : vector<16xf32> to vector<16xf32>
    tpu.vector_store %arg9[%swap3A_674], %swap3A_677 {strides = array<i32>} : memref<16384xf32, #tpu.memory_space<vmem>>, vector<16xf32>,
    %get3A_678 = arith.constant 128 : index
    %get3A_679 = tpu.vector_load %arg7[%get3A_678] {strides = array<i32>} : memref<256xi32, #tpu.memory_space<vmem>>, vector<16xi32>,
    %get3A_680 = vector.shape_cast %get3A_679 : vector<16xi32> to vector<16xi32>
    %get3A_681 = arith.constant 128 : index
    %get3A_682 = tpu.vector_load %arg8[%get3A_681] {strides = array<i32>} : memref<256xi32, #tpu.memory_space<vmem>>, vector<16xi32>,
    %get3A_683 = vector.shape_cast %get3A_682 : vector<16xi32> to vector<16xi32>
    %select_n3A_684 = arith.select %lt3A_2, %get3A_680, %get3A_683 : vector<16xi32>
    %broadcast_in_dim3A_685 = arith.constant 0.000000e+00 : f32
    %broadcast_in_dim3A_686 = vector.broadcast %broadcast_in_dim3A_685 : f32 to vector<16xf32>
    %eq3A_687 = arith.constant 0 : i32
    %eq3A_688 = vector.broadcast %eq3A_687 : i32 to vector<16xi32>
    %eq3A_689 = arith.cmpi eq, %select_n3A_684, %eq3A_688 : vector<16xi32>
    %get3A_690 = arith.constant 0 : i32
    %get3A_691 = arith.index_cast %get3A_690 : i32 to index
    %get3A_692 = arith.constant 0 : index
    %get3A_693 = tpu.vector_load %arg6[%get3A_691, %get3A_692] {strides = array<i32>} : memref<8x16xf32, #tpu.memory_space<vmem>>, vector<1x16xf32>,
    %get3A_694 = vector.shape_cast %get3A_693 : vector<1x16xf32> to vector<16xf32>
    %select_n3A_695 = arith.select %eq3A_689, %get3A_694, %broadcast_in_dim3A_686 : vector<16xi1>, vector<16xf32>
    %eq3A_696 = arith.constant 1 : i32
    %eq3A_697 = vector.broadcast %eq3A_696 : i32 to vector<16xi32>
    %eq3A_698 = arith.cmpi eq, %select_n3A_684, %eq3A_697 : vector<16xi32>
    %get3A_699 = arith.constant 1 : i32
    %get3A_700 = arith.index_cast %get3A_699 : i32 to index
    %get3A_701 = arith.constant 0 : index
    %get3A_702 = tpu.vector_load %arg6[%get3A_700, %get3A_701] {strides = array<i32>} : memref<8x16xf32, #tpu.memory_space<vmem>>, vector<1x16xf32>,
    %get3A_703 = vector.shape_cast %get3A_702 : vector<1x16xf32> to vector<16xf32>
    %select_n3A_704 = arith.select %eq3A_698, %get3A_703, %select_n3A_695 : vector<16xi1>, vector<16xf32>
    %eq3A_705 = arith.constant 2 : i32
    %eq3A_706 = vector.broadcast %eq3A_705 : i32 to vector<16xi32>
    %eq3A_707 = arith.cmpi eq, %select_n3A_684, %eq3A_706 : vector<16xi32>
    %get3A_708 = arith.constant 2 : i32
    %get3A_709 = arith.index_cast %get3A_708 : i32 to index
    %get3A_710 = arith.constant 0 : index
    %get3A_711 = tpu.vector_load %arg6[%get3A_709, %get3A_710] {strides = array<i32>} : memref<8x16xf32, #tpu.memory_space<vmem>>, vector<1x16xf32>,
    %get3A_712 = vector.shape_cast %get3A_711 : vector<1x16xf32> to vector<16xf32>
    %select_n3A_713 = arith.select %eq3A_707, %get3A_712, %select_n3A_704 : vector<16xi1>, vector<16xf32>
    %eq3A_714 = arith.constant 3 : i32
    %eq3A_715 = vector.broadcast %eq3A_714 : i32 to vector<16xi32>
    %eq3A_716 = arith.cmpi eq, %select_n3A_684, %eq3A_715 : vector<16xi32>
    %get3A_717 = arith.constant 3 : i32
    %get3A_718 = arith.index_cast %get3A_717 : i32 to index
    %get3A_719 = arith.constant 0 : index
    %get3A_720 = tpu.vector_load %arg6[%get3A_718, %get3A_719] {strides = array<i32>} : memref<8x16xf32, #tpu.memory_space<vmem>>, vector<1x16xf32>,
    %get3A_721 = vector.shape_cast %get3A_720 : vector<1x16xf32> to vector<16xf32>
    %select_n3A_722 = arith.select %eq3A_716, %get3A_721, %select_n3A_713 : vector<16xi1>, vector<16xf32>
    %eq3A_723 = arith.constant 4 : i32
    %eq3A_724 = vector.broadcast %eq3A_723 : i32 to vector<16xi32>
    %eq3A_725 = arith.cmpi eq, %select_n3A_684, %eq3A_724 : vector<16xi32>
    %get3A_726 = arith.constant 4 : i32
    %get3A_727 = arith.index_cast %get3A_726 : i32 to index
    %get3A_728 = arith.constant 0 : index
    %get3A_729 = tpu.vector_load %arg6[%get3A_727, %get3A_728] {strides = array<i32>} : memref<8x16xf32, #tpu.memory_space<vmem>>, vector<1x16xf32>,
    %get3A_730 = vector.shape_cast %get3A_729 : vector<1x16xf32> to vector<16xf32>
    %select_n3A_731 = arith.select %eq3A_725, %get3A_730, %select_n3A_722 : vector<16xi1>, vector<16xf32>
    %eq3A_732 = arith.constant 5 : i32
    %eq3A_733 = vector.broadcast %eq3A_732 : i32 to vector<16xi32>
    %eq3A_734 = arith.cmpi eq, %select_n3A_684, %eq3A_733 : vector<16xi32>
    %get3A_735 = arith.constant 5 : i32
    %get3A_736 = arith.index_cast %get3A_735 : i32 to index
    %get3A_737 = arith.constant 0 : index
    %get3A_738 = tpu.vector_load %arg6[%get3A_736, %get3A_737] {strides = array<i32>} : memref<8x16xf32, #tpu.memory_space<vmem>>, vector<1x16xf32>,
    %get3A_739 = vector.shape_cast %get3A_738 : vector<1x16xf32> to vector<16xf32>
    %select_n3A_740 = arith.select %eq3A_734, %get3A_739, %select_n3A_731 : vector<16xi1>, vector<16xf32>
    %eq3A_741 = arith.constant 6 : i32
    %eq3A_742 = vector.broadcast %eq3A_741 : i32 to vector<16xi32>
    %eq3A_743 = arith.cmpi eq, %select_n3A_684, %eq3A_742 : vector<16xi32>
    %get3A_744 = arith.constant 6 : i32
    %get3A_745 = arith.index_cast %get3A_744 : i32 to index
    %get3A_746 = arith.constant 0 : index
    %get3A_747 = tpu.vector_load %arg6[%get3A_745, %get3A_746] {strides = array<i32>} : memref<8x16xf32, #tpu.memory_space<vmem>>, vector<1x16xf32>,
    %get3A_748 = vector.shape_cast %get3A_747 : vector<1x16xf32> to vector<16xf32>
    %select_n3A_749 = arith.select %eq3A_743, %get3A_748, %select_n3A_740 : vector<16xi1>, vector<16xf32>
    %eq3A_750 = arith.constant 7 : i32
    %eq3A_751 = vector.broadcast %eq3A_750 : i32 to vector<16xi32>
    %eq3A_752 = arith.cmpi eq, %select_n3A_684, %eq3A_751 : vector<16xi32>
    %get3A_753 = arith.constant 7 : i32
    %get3A_754 = arith.index_cast %get3A_753 : i32 to index
    %get3A_755 = arith.constant 0 : index
    %get3A_756 = tpu.vector_load %arg6[%get3A_754, %get3A_755] {strides = array<i32>} : memref<8x16xf32, #tpu.memory_space<vmem>>, vector<1x16xf32>,
    %get3A_757 = vector.shape_cast %get3A_756 : vector<1x16xf32> to vector<16xf32>
    %select_n3A_758 = arith.select %eq3A_752, %get3A_757, %select_n3A_749 : vector<16xi1>, vector<16xf32>
    %swap3A_759 = arith.constant 128 : index
    %swap3A_760 = tpu.vector_load %arg9[%swap3A_759] {strides = array<i32>} : memref<16384xf32, #tpu.memory_space<vmem>>, vector<16xf32>,
    %swap3A_761 = vector.shape_cast %swap3A_760 : vector<16xf32> to vector<16xf32>
    %swap3A_762 = vector.shape_cast %select_n3A_758 : vector<16xf32> to vector<16xf32>
    tpu.vector_store %arg9[%swap3A_759], %swap3A_762 {strides = array<i32>} : memref<16384xf32, #tpu.memory_space<vmem>>, vector<16xf32>,
    %get3A_763 = arith.constant 144 : index
    %get3A_764 = tpu.vector_load %arg7[%get3A_763] {strides = array<i32>} : memref<256xi32, #tpu.memory_space<vmem>>, vector<16xi32>,
    %get3A_765 = vector.shape_cast %get3A_764 : vector<16xi32> to vector<16xi32>
    %get3A_766 = arith.constant 144 : index
    %get3A_767 = tpu.vector_load %arg8[%get3A_766] {strides = array<i32>} : memref<256xi32, #tpu.memory_space<vmem>>, vector<16xi32>,
    %get3A_768 = vector.shape_cast %get3A_767 : vector<16xi32> to vector<16xi32>
    %select_n3A_769 = arith.select %lt3A_2, %get3A_765, %get3A_768 : vector<16xi32>
    %broadcast_in_dim3A_770 = arith.constant 0.000000e+00 : f32
    %broadcast_in_dim3A_771 = vector.broadcast %broadcast_in_dim3A_770 : f32 to vector<16xf32>
    %eq3A_772 = arith.constant 0 : i32
    %eq3A_773 = vector.broadcast %eq3A_772 : i32 to vector<16xi32>
    %eq3A_774 = arith.cmpi eq, %select_n3A_769, %eq3A_773 : vector<16xi32>
    %get3A_775 = arith.constant 0 : i32
    %get3A_776 = arith.index_cast %get3A_775 : i32 to index
    %get3A_777 = arith.constant 0 : index
    %get3A_778 = tpu.vector_load %arg6[%get3A_776, %get3A_777] {strides = array<i32>} : memref<8x16xf32, #tpu.memory_space<vmem>>, vector<1x16xf32>,
    %get3A_779 = vector.shape_cast %get3A_778 : vector<1x16xf32> to vector<16xf32>
    %select_n3A_780 = arith.select %eq3A_774, %get3A_779, %broadcast_in_dim3A_771 : vector<16xi1>, vector<16xf32>
    %eq3A_781 = arith.constant 1 : i32
    %eq3A_782 = vector.broadcast %eq3A_781 : i32 to vector<16xi32>
    %eq3A_783 = arith.cmpi eq, %select_n3A_769, %eq3A_782 : vector<16xi32>
    %get3A_784 = arith.constant 1 : i32
    %get3A_785 = arith.index_cast %get3A_784 : i32 to index
    %get3A_786 = arith.constant 0 : index
    %get3A_787 = tpu.vector_load %arg6[%get3A_785, %get3A_786] {strides = array<i32>} : memref<8x16xf32, #tpu.memory_space<vmem>>, vector<1x16xf32>,
    %get3A_788 = vector.shape_cast %get3A_787 : vector<1x16xf32> to vector<16xf32>
    %select_n3A_789 = arith.select %eq3A_783, %get3A_788, %select_n3A_780 : vector<16xi1>, vector<16xf32>
    %eq3A_790 = arith.constant 2 : i32
    %eq3A_791 = vector.broadcast %eq3A_790 : i32 to vector<16xi32>
    %eq3A_792 = arith.cmpi eq, %select_n3A_769, %eq3A_791 : vector<16xi32>
    %get3A_793 = arith.constant 2 : i32
    %get3A_794 = arith.index_cast %get3A_793 : i32 to index
    %get3A_795 = arith.constant 0 : index
    %get3A_796 = tpu.vector_load %arg6[%get3A_794, %get3A_795] {strides = array<i32>} : memref<8x16xf32, #tpu.memory_space<vmem>>, vector<1x16xf32>,
    %get3A_797 = vector.shape_cast %get3A_796 : vector<1x16xf32> to vector<16xf32>
    %select_n3A_798 = arith.select %eq3A_792, %get3A_797, %select_n3A_789 : vector<16xi1>, vector<16xf32>
    %eq3A_799 = arith.constant 3 : i32
    %eq3A_800 = vector.broadcast %eq3A_799 : i32 to vector<16xi32>
    %eq3A_801 = arith.cmpi eq, %select_n3A_769, %eq3A_800 : vector<16xi32>
    %get3A_802 = arith.constant 3 : i32
    %get3A_803 = arith.index_cast %get3A_802 : i32 to index
    %get3A_804 = arith.constant 0 : index
    %get3A_805 = tpu.vector_load %arg6[%get3A_803, %get3A_804] {strides = array<i32>} : memref<8x16xf32, #tpu.memory_space<vmem>>, vector<1x16xf32>,
    %get3A_806 = vector.shape_cast %get3A_805 : vector<1x16xf32> to vector<16xf32>
    %select_n3A_807 = arith.select %eq3A_801, %get3A_806, %select_n3A_798 : vector<16xi1>, vector<16xf32>
    %eq3A_808 = arith.constant 4 : i32
    %eq3A_809 = vector.broadcast %eq3A_808 : i32 to vector<16xi32>
    %eq3A_810 = arith.cmpi eq, %select_n3A_769, %eq3A_809 : vector<16xi32>
    %get3A_811 = arith.constant 4 : i32
    %get3A_812 = arith.index_cast %get3A_811 : i32 to index
    %get3A_813 = arith.constant 0 : index
    %get3A_814 = tpu.vector_load %arg6[%get3A_812, %get3A_813] {strides = array<i32>} : memref<8x16xf32, #tpu.memory_space<vmem>>, vector<1x16xf32>,
    %get3A_815 = vector.shape_cast %get3A_814 : vector<1x16xf32> to vector<16xf32>
    %select_n3A_816 = arith.select %eq3A_810, %get3A_815, %select_n3A_807 : vector<16xi1>, vector<16xf32>
    %eq3A_817 = arith.constant 5 : i32
    %eq3A_818 = vector.broadcast %eq3A_817 : i32 to vector<16xi32>
    %eq3A_819 = arith.cmpi eq, %select_n3A_769, %eq3A_818 : vector<16xi32>
    %get3A_820 = arith.constant 5 : i32
    %get3A_821 = arith.index_cast %get3A_820 : i32 to index
    %get3A_822 = arith.constant 0 : index
    %get3A_823 = tpu.vector_load %arg6[%get3A_821, %get3A_822] {strides = array<i32>} : memref<8x16xf32, #tpu.memory_space<vmem>>, vector<1x16xf32>,
    %get3A_824 = vector.shape_cast %get3A_823 : vector<1x16xf32> to vector<16xf32>
    %select_n3A_825 = arith.select %eq3A_819, %get3A_824, %select_n3A_816 : vector<16xi1>, vector<16xf32>
    %eq3A_826 = arith.constant 6 : i32
    %eq3A_827 = vector.broadcast %eq3A_826 : i32 to vector<16xi32>
    %eq3A_828 = arith.cmpi eq, %select_n3A_769, %eq3A_827 : vector<16xi32>
    %get3A_829 = arith.constant 6 : i32
    %get3A_830 = arith.index_cast %get3A_829 : i32 to index
    %get3A_831 = arith.constant 0 : index
    %get3A_832 = tpu.vector_load %arg6[%get3A_830, %get3A_831] {strides = array<i32>} : memref<8x16xf32, #tpu.memory_space<vmem>>, vector<1x16xf32>,
    %get3A_833 = vector.shape_cast %get3A_832 : vector<1x16xf32> to vector<16xf32>
    %select_n3A_834 = arith.select %eq3A_828, %get3A_833, %select_n3A_825 : vector<16xi1>, vector<16xf32>
    %eq3A_835 = arith.constant 7 : i32
    %eq3A_836 = vector.broadcast %eq3A_835 : i32 to vector<16xi32>
    %eq3A_837 = arith.cmpi eq, %select_n3A_769, %eq3A_836 : vector<16xi32>
    %get3A_838 = arith.constant 7 : i32
    %get3A_839 = arith.index_cast %get3A_838 : i32 to index
    %get3A_840 = arith.constant 0 : index
    %get3A_841 = tpu.vector_load %arg6[%get3A_839, %get3A_840] {strides = array<i32>} : memref<8x16xf32, #tpu.memory_space<vmem>>, vector<1x16xf32>,
    %get3A_842 = vector.shape_cast %get3A_841 : vector<1x16xf32> to vector<16xf32>
    %select_n3A_843 = arith.select %eq3A_837, %get3A_842, %select_n3A_834 : vector<16xi1>, vector<16xf32>
    %swap3A_844 = arith.constant 144 : index
    %swap3A_845 = tpu.vector_load %arg9[%swap3A_844] {strides = array<i32>} : memref<16384xf32, #tpu.memory_space<vmem>>, vector<16xf32>,
    %swap3A_846 = vector.shape_cast %swap3A_845 : vector<16xf32> to vector<16xf32>
    %swap3A_847 = vector.shape_cast %select_n3A_843 : vector<16xf32> to vector<16xf32>
    tpu.vector_store %arg9[%swap3A_844], %swap3A_847 {strides = array<i32>} : memref<16384xf32, #tpu.memory_space<vmem>>, vector<16xf32>,
    %get3A_848 = arith.constant 160 : index
    %get3A_849 = tpu.vector_load %arg7[%get3A_848] {strides = array<i32>} : memref<256xi32, #tpu.memory_space<vmem>>, vector<16xi32>,
    %get3A_850 = vector.shape_cast %get3A_849 : vector<16xi32> to vector<16xi32>
    %get3A_851 = arith.constant 160 : index
    %get3A_852 = tpu.vector_load %arg8[%get3A_851] {strides = array<i32>} : memref<256xi32, #tpu.memory_space<vmem>>, vector<16xi32>,
    %get3A_853 = vector.shape_cast %get3A_852 : vector<16xi32> to vector<16xi32>
    %select_n3A_854 = arith.select %lt3A_2, %get3A_850, %get3A_853 : vector<16xi32>
    %broadcast_in_dim3A_855 = arith.constant 0.000000e+00 : f32
    %broadcast_in_dim3A_856 = vector.broadcast %broadcast_in_dim3A_855 : f32 to vector<16xf32>
    %eq3A_857 = arith.constant 0 : i32
    %eq3A_858 = vector.broadcast %eq3A_857 : i32 to vector<16xi32>
    %eq3A_859 = arith.cmpi eq, %select_n3A_854, %eq3A_858 : vector<16xi32>
    %get3A_860 = arith.constant 0 : i32
    %get3A_861 = arith.index_cast %get3A_860 : i32 to index
    %get3A_862 = arith.constant 0 : index
    %get3A_863 = tpu.vector_load %arg6[%get3A_861, %get3A_862] {strides = array<i32>} : memref<8x16xf32, #tpu.memory_space<vmem>>, vector<1x16xf32>,
    %get3A_864 = vector.shape_cast %get3A_863 : vector<1x16xf32> to vector<16xf32>
    %select_n3A_865 = arith.select %eq3A_859, %get3A_864, %broadcast_in_dim3A_856 : vector<16xi1>, vector<16xf32>
    %eq3A_866 = arith.constant 1 : i32
    %eq3A_867 = vector.broadcast %eq3A_866 : i32 to vector<16xi32>
    %eq3A_868 = arith.cmpi eq, %select_n3A_854, %eq3A_867 : vector<16xi32>
    %get3A_869 = arith.constant 1 : i32
    %get3A_870 = arith.index_cast %get3A_869 : i32 to index
    %get3A_871 = arith.constant 0 : index
    %get3A_872 = tpu.vector_load %arg6[%get3A_870, %get3A_871] {strides = array<i32>} : memref<8x16xf32, #tpu.memory_space<vmem>>, vector<1x16xf32>,
    %get3A_873 = vector.shape_cast %get3A_872 : vector<1x16xf32> to vector<16xf32>
    %select_n3A_874 = arith.select %eq3A_868, %get3A_873, %select_n3A_865 : vector<16xi1>, vector<16xf32>
    %eq3A_875 = arith.constant 2 : i32
    %eq3A_876 = vector.broadcast %eq3A_875 : i32 to vector<16xi32>
    %eq3A_877 = arith.cmpi eq, %select_n3A_854, %eq3A_876 : vector<16xi32>
    %get3A_878 = arith.constant 2 : i32
    %get3A_879 = arith.index_cast %get3A_878 : i32 to index
    %get3A_880 = arith.constant 0 : index
    %get3A_881 = tpu.vector_load %arg6[%get3A_879, %get3A_880] {strides = array<i32>} : memref<8x16xf32, #tpu.memory_space<vmem>>, vector<1x16xf32>,
    %get3A_882 = vector.shape_cast %get3A_881 : vector<1x16xf32> to vector<16xf32>
    %select_n3A_883 = arith.select %eq3A_877, %get3A_882, %select_n3A_874 : vector<16xi1>, vector<16xf32>
    %eq3A_884 = arith.constant 3 : i32
    %eq3A_885 = vector.broadcast %eq3A_884 : i32 to vector<16xi32>
    %eq3A_886 = arith.cmpi eq, %select_n3A_854, %eq3A_885 : vector<16xi32>
    %get3A_887 = arith.constant 3 : i32
    %get3A_888 = arith.index_cast %get3A_887 : i32 to index
    %get3A_889 = arith.constant 0 : index
    %get3A_890 = tpu.vector_load %arg6[%get3A_888, %get3A_889] {strides = array<i32>} : memref<8x16xf32, #tpu.memory_space<vmem>>, vector<1x16xf32>,
    %get3A_891 = vector.shape_cast %get3A_890 : vector<1x16xf32> to vector<16xf32>
    %select_n3A_892 = arith.select %eq3A_886, %get3A_891, %select_n3A_883 : vector<16xi1>, vector<16xf32>
    %eq3A_893 = arith.constant 4 : i32
    %eq3A_894 = vector.broadcast %eq3A_893 : i32 to vector<16xi32>
    %eq3A_895 = arith.cmpi eq, %select_n3A_854, %eq3A_894 : vector<16xi32>
    %get3A_896 = arith.constant 4 : i32
    %get3A_897 = arith.index_cast %get3A_896 : i32 to index
    %get3A_898 = arith.constant 0 : index
    %get3A_899 = tpu.vector_load %arg6[%get3A_897, %get3A_898] {strides = array<i32>} : memref<8x16xf32, #tpu.memory_space<vmem>>, vector<1x16xf32>,
    %get3A_900 = vector.shape_cast %get3A_899 : vector<1x16xf32> to vector<16xf32>
    %select_n3A_901 = arith.select %eq3A_895, %get3A_900, %select_n3A_892 : vector<16xi1>, vector<16xf32>
    %eq3A_902 = arith.constant 5 : i32
    %eq3A_903 = vector.broadcast %eq3A_902 : i32 to vector<16xi32>
    %eq3A_904 = arith.cmpi eq, %select_n3A_854, %eq3A_903 : vector<16xi32>
    %get3A_905 = arith.constant 5 : i32
    %get3A_906 = arith.index_cast %get3A_905 : i32 to index
    %get3A_907 = arith.constant 0 : index
    %get3A_908 = tpu.vector_load %arg6[%get3A_906, %get3A_907] {strides = array<i32>} : memref<8x16xf32, #tpu.memory_space<vmem>>, vector<1x16xf32>,
    %get3A_909 = vector.shape_cast %get3A_908 : vector<1x16xf32> to vector<16xf32>
    %select_n3A_910 = arith.select %eq3A_904, %get3A_909, %select_n3A_901 : vector<16xi1>, vector<16xf32>
    %eq3A_911 = arith.constant 6 : i32
    %eq3A_912 = vector.broadcast %eq3A_911 : i32 to vector<16xi32>
    %eq3A_913 = arith.cmpi eq, %select_n3A_854, %eq3A_912 : vector<16xi32>
    %get3A_914 = arith.constant 6 : i32
    %get3A_915 = arith.index_cast %get3A_914 : i32 to index
    %get3A_916 = arith.constant 0 : index
    %get3A_917 = tpu.vector_load %arg6[%get3A_915, %get3A_916] {strides = array<i32>} : memref<8x16xf32, #tpu.memory_space<vmem>>, vector<1x16xf32>,
    %get3A_918 = vector.shape_cast %get3A_917 : vector<1x16xf32> to vector<16xf32>
    %select_n3A_919 = arith.select %eq3A_913, %get3A_918, %select_n3A_910 : vector<16xi1>, vector<16xf32>
    %eq3A_920 = arith.constant 7 : i32
    %eq3A_921 = vector.broadcast %eq3A_920 : i32 to vector<16xi32>
    %eq3A_922 = arith.cmpi eq, %select_n3A_854, %eq3A_921 : vector<16xi32>
    %get3A_923 = arith.constant 7 : i32
    %get3A_924 = arith.index_cast %get3A_923 : i32 to index
    %get3A_925 = arith.constant 0 : index
    %get3A_926 = tpu.vector_load %arg6[%get3A_924, %get3A_925] {strides = array<i32>} : memref<8x16xf32, #tpu.memory_space<vmem>>, vector<1x16xf32>,
    %get3A_927 = vector.shape_cast %get3A_926 : vector<1x16xf32> to vector<16xf32>
    %select_n3A_928 = arith.select %eq3A_922, %get3A_927, %select_n3A_919 : vector<16xi1>, vector<16xf32>
    %swap3A_929 = arith.constant 160 : index
    %swap3A_930 = tpu.vector_load %arg9[%swap3A_929] {strides = array<i32>} : memref<16384xf32, #tpu.memory_space<vmem>>, vector<16xf32>,
    %swap3A_931 = vector.shape_cast %swap3A_930 : vector<16xf32> to vector<16xf32>
    %swap3A_932 = vector.shape_cast %select_n3A_928 : vector<16xf32> to vector<16xf32>
    tpu.vector_store %arg9[%swap3A_929], %swap3A_932 {strides = array<i32>} : memref<16384xf32, #tpu.memory_space<vmem>>, vector<16xf32>,
    %get3A_933 = arith.constant 176 : index
    %get3A_934 = tpu.vector_load %arg7[%get3A_933] {strides = array<i32>} : memref<256xi32, #tpu.memory_space<vmem>>, vector<16xi32>,
    %get3A_935 = vector.shape_cast %get3A_934 : vector<16xi32> to vector<16xi32>
    %get3A_936 = arith.constant 176 : index
    %get3A_937 = tpu.vector_load %arg8[%get3A_936] {strides = array<i32>} : memref<256xi32, #tpu.memory_space<vmem>>, vector<16xi32>,
    %get3A_938 = vector.shape_cast %get3A_937 : vector<16xi32> to vector<16xi32>
    %select_n3A_939 = arith.select %lt3A_2, %get3A_935, %get3A_938 : vector<16xi32>
    %broadcast_in_dim3A_940 = arith.constant 0.000000e+00 : f32
    %broadcast_in_dim3A_941 = vector.broadcast %broadcast_in_dim3A_940 : f32 to vector<16xf32>
    %eq3A_942 = arith.constant 0 : i32
    %eq3A_943 = vector.broadcast %eq3A_942 : i32 to vector<16xi32>
    %eq3A_944 = arith.cmpi eq, %select_n3A_939, %eq3A_943 : vector<16xi32>
    %get3A_945 = arith.constant 0 : i32
    %get3A_946 = arith.index_cast %get3A_945 : i32 to index
    %get3A_947 = arith.constant 0 : index
    %get3A_948 = tpu.vector_load %arg6[%get3A_946, %get3A_947] {strides = array<i32>} : memref<8x16xf32, #tpu.memory_space<vmem>>, vector<1x16xf32>,
    %get3A_949 = vector.shape_cast %get3A_948 : vector<1x16xf32> to vector<16xf32>
    %select_n3A_950 = arith.select %eq3A_944, %get3A_949, %broadcast_in_dim3A_941 : vector<16xi1>, vector<16xf32>
    %eq3A_951 = arith.constant 1 : i32
    %eq3A_952 = vector.broadcast %eq3A_951 : i32 to vector<16xi32>
    %eq3A_953 = arith.cmpi eq, %select_n3A_939, %eq3A_952 : vector<16xi32>
    %get3A_954 = arith.constant 1 : i32
    %get3A_955 = arith.index_cast %get3A_954 : i32 to index
    %get3A_956 = arith.constant 0 : index
    %get3A_957 = tpu.vector_load %arg6[%get3A_955, %get3A_956] {strides = array<i32>} : memref<8x16xf32, #tpu.memory_space<vmem>>, vector<1x16xf32>,
    %get3A_958 = vector.shape_cast %get3A_957 : vector<1x16xf32> to vector<16xf32>
    %select_n3A_959 = arith.select %eq3A_953, %get3A_958, %select_n3A_950 : vector<16xi1>, vector<16xf32>
    %eq3A_960 = arith.constant 2 : i32
    %eq3A_961 = vector.broadcast %eq3A_960 : i32 to vector<16xi32>
    %eq3A_962 = arith.cmpi eq, %select_n3A_939, %eq3A_961 : vector<16xi32>
    %get3A_963 = arith.constant 2 : i32
    %get3A_964 = arith.index_cast %get3A_963 : i32 to index
    %get3A_965 = arith.constant 0 : index
    %get3A_966 = tpu.vector_load %arg6[%get3A_964, %get3A_965] {strides = array<i32>} : memref<8x16xf32, #tpu.memory_space<vmem>>, vector<1x16xf32>,
    %get3A_967 = vector.shape_cast %get3A_966 : vector<1x16xf32> to vector<16xf32>
    %select_n3A_968 = arith.select %eq3A_962, %get3A_967, %select_n3A_959 : vector<16xi1>, vector<16xf32>
    %eq3A_969 = arith.constant 3 : i32
    %eq3A_970 = vector.broadcast %eq3A_969 : i32 to vector<16xi32>
    %eq3A_971 = arith.cmpi eq, %select_n3A_939, %eq3A_970 : vector<16xi32>
    %get3A_972 = arith.constant 3 : i32
    %get3A_973 = arith.index_cast %get3A_972 : i32 to index
    %get3A_974 = arith.constant 0 : index
    %get3A_975 = tpu.vector_load %arg6[%get3A_973, %get3A_974] {strides = array<i32>} : memref<8x16xf32, #tpu.memory_space<vmem>>, vector<1x16xf32>,
    %get3A_976 = vector.shape_cast %get3A_975 : vector<1x16xf32> to vector<16xf32>
    %select_n3A_977 = arith.select %eq3A_971, %get3A_976, %select_n3A_968 : vector<16xi1>, vector<16xf32>
    %eq3A_978 = arith.constant 4 : i32
    %eq3A_979 = vector.broadcast %eq3A_978 : i32 to vector<16xi32>
    %eq3A_980 = arith.cmpi eq, %select_n3A_939, %eq3A_979 : vector<16xi32>
    %get3A_981 = arith.constant 4 : i32
    %get3A_982 = arith.index_cast %get3A_981 : i32 to index
    %get3A_983 = arith.constant 0 : index
    %get3A_984 = tpu.vector_load %arg6[%get3A_982, %get3A_983] {strides = array<i32>} : memref<8x16xf32, #tpu.memory_space<vmem>>, vector<1x16xf32>,
    %get3A_985 = vector.shape_cast %get3A_984 : vector<1x16xf32> to vector<16xf32>
    %select_n3A_986 = arith.select %eq3A_980, %get3A_985, %select_n3A_977 : vector<16xi1>, vector<16xf32>
    %eq3A_987 = arith.constant 5 : i32
    %eq3A_988 = vector.broadcast %eq3A_987 : i32 to vector<16xi32>
    %eq3A_989 = arith.cmpi eq, %select_n3A_939, %eq3A_988 : vector<16xi32>
    %get3A_990 = arith.constant 5 : i32
    %get3A_991 = arith.index_cast %get3A_990 : i32 to index
    %get3A_992 = arith.constant 0 : index
    %get3A_993 = tpu.vector_load %arg6[%get3A_991, %get3A_992] {strides = array<i32>} : memref<8x16xf32, #tpu.memory_space<vmem>>, vector<1x16xf32>,
    %get3A_994 = vector.shape_cast %get3A_993 : vector<1x16xf32> to vector<16xf32>
    %select_n3A_995 = arith.select %eq3A_989, %get3A_994, %select_n3A_986 : vector<16xi1>, vector<16xf32>
    %eq3A_996 = arith.constant 6 : i32
    %eq3A_997 = vector.broadcast %eq3A_996 : i32 to vector<16xi32>
    %eq3A_998 = arith.cmpi eq, %select_n3A_939, %eq3A_997 : vector<16xi32>
    %get3A_999 = arith.constant 6 : i32
    %get3A_1000 = arith.index_cast %get3A_999 : i32 to index
    %get3A_1001 = arith.constant 0 : index
    %get3A_1002 = tpu.vector_load %arg6[%get3A_1000, %get3A_1001] {strides = array<i32>} : memref<8x16xf32, #tpu.memory_space<vmem>>, vector<1x16xf32>,
    %get3A_1003 = vector.shape_cast %get3A_1002 : vector<1x16xf32> to vector<16xf32>
    %select_n3A_1004 = arith.select %eq3A_998, %get3A_1003, %select_n3A_995 : vector<16xi1>, vector<16xf32>
    %eq3A_1005 = arith.constant 7 : i32
    %eq3A_1006 = vector.broadcast %eq3A_1005 : i32 to vector<16xi32>
    %eq3A_1007 = arith.cmpi eq, %select_n3A_939, %eq3A_1006 : vector<16xi32>
    %get3A_1008 = arith.constant 7 : i32
    %get3A_1009 = arith.index_cast %get3A_1008 : i32 to index
    %get3A_1010 = arith.constant 0 : index
    %get3A_1011 = tpu.vector_load %arg6[%get3A_1009, %get3A_1010] {strides = array<i32>} : memref<8x16xf32, #tpu.memory_space<vmem>>, vector<1x16xf32>,
    %get3A_1012 = vector.shape_cast %get3A_1011 : vector<1x16xf32> to vector<16xf32>
    %select_n3A_1013 = arith.select %eq3A_1007, %get3A_1012, %select_n3A_1004 : vector<16xi1>, vector<16xf32>
    %swap3A_1014 = arith.constant 176 : index
    %swap3A_1015 = tpu.vector_load %arg9[%swap3A_1014] {strides = array<i32>} : memref<16384xf32, #tpu.memory_space<vmem>>, vector<16xf32>,
    %swap3A_1016 = vector.shape_cast %swap3A_1015 : vector<16xf32> to vector<16xf32>
    %swap3A_1017 = vector.shape_cast %select_n3A_1013 : vector<16xf32> to vector<16xf32>
    tpu.vector_store %arg9[%swap3A_1014], %swap3A_1017 {strides = array<i32>} : memref<16384xf32, #tpu.memory_space<vmem>>, vector<16xf32>,
    %get3A_1018 = arith.constant 192 : index
    %get3A_1019 = tpu.vector_load %arg7[%get3A_1018] {strides = array<i32>} : memref<256xi32, #tpu.memory_space<vmem>>, vector<16xi32>,
    %get3A_1020 = vector.shape_cast %get3A_1019 : vector<16xi32> to vector<16xi32>
    %get3A_1021 = arith.constant 192 : index
    %get3A_1022 = tpu.vector_load %arg8[%get3A_1021] {strides = array<i32>} : memref<256xi32, #tpu.memory_space<vmem>>, vector<16xi32>,
    %get3A_1023 = vector.shape_cast %get3A_1022 : vector<16xi32> to vector<16xi32>
    %select_n3A_1024 = arith.select %lt3A_2, %get3A_1020, %get3A_1023 : vector<16xi32>
    %broadcast_in_dim3A_1025 = arith.constant 0.000000e+00 : f32
    %broadcast_in_dim3A_1026 = vector.broadcast %broadcast_in_dim3A_1025 : f32 to vector<16xf32>
    %eq3A_1027 = arith.constant 0 : i32
    %eq3A_1028 = vector.broadcast %eq3A_1027 : i32 to vector<16xi32>
    %eq3A_1029 = arith.cmpi eq, %select_n3A_1024, %eq3A_1028 : vector<16xi32>
    %get3A_1030 = arith.constant 0 : i32
    %get3A_1031 = arith.index_cast %get3A_1030 : i32 to index
    %get3A_1032 = arith.constant 0 : index
    %get3A_1033 = tpu.vector_load %arg6[%get3A_1031, %get3A_1032] {strides = array<i32>} : memref<8x16xf32, #tpu.memory_space<vmem>>, vector<1x16xf32>,
    %get3A_1034 = vector.shape_cast %get3A_1033 : vector<1x16xf32> to vector<16xf32>
    %select_n3A_1035 = arith.select %eq3A_1029, %get3A_1034, %broadcast_in_dim3A_1026 : vector<16xi1>, vector<16xf32>
    %eq3A_1036 = arith.constant 1 : i32
    %eq3A_1037 = vector.broadcast %eq3A_1036 : i32 to vector<16xi32>
    %eq3A_1038 = arith.cmpi eq, %select_n3A_1024, %eq3A_1037 : vector<16xi32>
    %get3A_1039 = arith.constant 1 : i32
    %get3A_1040 = arith.index_cast %get3A_1039 : i32 to index
    %get3A_1041 = arith.constant 0 : index
    %get3A_1042 = tpu.vector_load %arg6[%get3A_1040, %get3A_1041] {strides = array<i32>} : memref<8x16xf32, #tpu.memory_space<vmem>>, vector<1x16xf32>,
    %get3A_1043 = vector.shape_cast %get3A_1042 : vector<1x16xf32> to vector<16xf32>
    %select_n3A_1044 = arith.select %eq3A_1038, %get3A_1043, %select_n3A_1035 : vector<16xi1>, vector<16xf32>
    %eq3A_1045 = arith.constant 2 : i32
    %eq3A_1046 = vector.broadcast %eq3A_1045 : i32 to vector<16xi32>
    %eq3A_1047 = arith.cmpi eq, %select_n3A_1024, %eq3A_1046 : vector<16xi32>
    %get3A_1048 = arith.constant 2 : i32
    %get3A_1049 = arith.index_cast %get3A_1048 : i32 to index
    %get3A_1050 = arith.constant 0 : index
    %get3A_1051 = tpu.vector_load %arg6[%get3A_1049, %get3A_1050] {strides = array<i32>} : memref<8x16xf32, #tpu.memory_space<vmem>>, vector<1x16xf32>,
    %get3A_1052 = vector.shape_cast %get3A_1051 : vector<1x16xf32> to vector<16xf32>
    %select_n3A_1053 = arith.select %eq3A_1047, %get3A_1052, %select_n3A_1044 : vector<16xi1>, vector<16xf32>
    %eq3A_1054 = arith.constant 3 : i32
    %eq3A_1055 = vector.broadcast %eq3A_1054 : i32 to vector<16xi32>
    %eq3A_1056 = arith.cmpi eq, %select_n3A_1024, %eq3A_1055 : vector<16xi32>
    %get3A_1057 = arith.constant 3 : i32
    %get3A_1058 = arith.index_cast %get3A_1057 : i32 to index
    %get3A_1059 = arith.constant 0 : index
    %get3A_1060 = tpu.vector_load %arg6[%get3A_1058, %get3A_1059] {strides = array<i32>} : memref<8x16xf32, #tpu.memory_space<vmem>>, vector<1x16xf32>,
    %get3A_1061 = vector.shape_cast %get3A_1060 : vector<1x16xf32> to vector<16xf32>
    %select_n3A_1062 = arith.select %eq3A_1056, %get3A_1061, %select_n3A_1053 : vector<16xi1>, vector<16xf32>
    %eq3A_1063 = arith.constant 4 : i32
    %eq3A_1064 = vector.broadcast %eq3A_1063 : i32 to vector<16xi32>
    %eq3A_1065 = arith.cmpi eq, %select_n3A_1024, %eq3A_1064 : vector<16xi32>
    %get3A_1066 = arith.constant 4 : i32
    %get3A_1067 = arith.index_cast %get3A_1066 : i32 to index
    %get3A_1068 = arith.constant 0 : index
    %get3A_1069 = tpu.vector_load %arg6[%get3A_1067, %get3A_1068] {strides = array<i32>} : memref<8x16xf32, #tpu.memory_space<vmem>>, vector<1x16xf32>,
    %get3A_1070 = vector.shape_cast %get3A_1069 : vector<1x16xf32> to vector<16xf32>
    %select_n3A_1071 = arith.select %eq3A_1065, %get3A_1070, %select_n3A_1062 : vector<16xi1>, vector<16xf32>
    %eq3A_1072 = arith.constant 5 : i32
    %eq3A_1073 = vector.broadcast %eq3A_1072 : i32 to vector<16xi32>
    %eq3A_1074 = arith.cmpi eq, %select_n3A_1024, %eq3A_1073 : vector<16xi32>
    %get3A_1075 = arith.constant 5 : i32
    %get3A_1076 = arith.index_cast %get3A_1075 : i32 to index
    %get3A_1077 = arith.constant 0 : index
    %get3A_1078 = tpu.vector_load %arg6[%get3A_1076, %get3A_1077] {strides = array<i32>} : memref<8x16xf32, #tpu.memory_space<vmem>>, vector<1x16xf32>,
    %get3A_1079 = vector.shape_cast %get3A_1078 : vector<1x16xf32> to vector<16xf32>
    %select_n3A_1080 = arith.select %eq3A_1074, %get3A_1079, %select_n3A_1071 : vector<16xi1>, vector<16xf32>
    %eq3A_1081 = arith.constant 6 : i32
    %eq3A_1082 = vector.broadcast %eq3A_1081 : i32 to vector<16xi32>
    %eq3A_1083 = arith.cmpi eq, %select_n3A_1024, %eq3A_1082 : vector<16xi32>
    %get3A_1084 = arith.constant 6 : i32
    %get3A_1085 = arith.index_cast %get3A_1084 : i32 to index
    %get3A_1086 = arith.constant 0 : index
    %get3A_1087 = tpu.vector_load %arg6[%get3A_1085, %get3A_1086] {strides = array<i32>} : memref<8x16xf32, #tpu.memory_space<vmem>>, vector<1x16xf32>,
    %get3A_1088 = vector.shape_cast %get3A_1087 : vector<1x16xf32> to vector<16xf32>
    %select_n3A_1089 = arith.select %eq3A_1083, %get3A_1088, %select_n3A_1080 : vector<16xi1>, vector<16xf32>
    %eq3A_1090 = arith.constant 7 : i32
    %eq3A_1091 = vector.broadcast %eq3A_1090 : i32 to vector<16xi32>
    %eq3A_1092 = arith.cmpi eq, %select_n3A_1024, %eq3A_1091 : vector<16xi32>
    %get3A_1093 = arith.constant 7 : i32
    %get3A_1094 = arith.index_cast %get3A_1093 : i32 to index
    %get3A_1095 = arith.constant 0 : index
    %get3A_1096 = tpu.vector_load %arg6[%get3A_1094, %get3A_1095] {strides = array<i32>} : memref<8x16xf32, #tpu.memory_space<vmem>>, vector<1x16xf32>,
    %get3A_1097 = vector.shape_cast %get3A_1096 : vector<1x16xf32> to vector<16xf32>
    %select_n3A_1098 = arith.select %eq3A_1092, %get3A_1097, %select_n3A_1089 : vector<16xi1>, vector<16xf32>
    %swap3A_1099 = arith.constant 192 : index
    %swap3A_1100 = tpu.vector_load %arg9[%swap3A_1099] {strides = array<i32>} : memref<16384xf32, #tpu.memory_space<vmem>>, vector<16xf32>,
    %swap3A_1101 = vector.shape_cast %swap3A_1100 : vector<16xf32> to vector<16xf32>
    %swap3A_1102 = vector.shape_cast %select_n3A_1098 : vector<16xf32> to vector<16xf32>
    tpu.vector_store %arg9[%swap3A_1099], %swap3A_1102 {strides = array<i32>} : memref<16384xf32, #tpu.memory_space<vmem>>, vector<16xf32>,
    %get3A_1103 = arith.constant 208 : index
    %get3A_1104 = tpu.vector_load %arg7[%get3A_1103] {strides = array<i32>} : memref<256xi32, #tpu.memory_space<vmem>>, vector<16xi32>,
    %get3A_1105 = vector.shape_cast %get3A_1104 : vector<16xi32> to vector<16xi32>
    %get3A_1106 = arith.constant 208 : index
    %get3A_1107 = tpu.vector_load %arg8[%get3A_1106] {strides = array<i32>} : memref<256xi32, #tpu.memory_space<vmem>>, vector<16xi32>,
    %get3A_1108 = vector.shape_cast %get3A_1107 : vector<16xi32> to vector<16xi32>
    %select_n3A_1109 = arith.select %lt3A_2, %get3A_1105, %get3A_1108 : vector<16xi32>
    %broadcast_in_dim3A_1110 = arith.constant 0.000000e+00 : f32
    %broadcast_in_dim3A_1111 = vector.broadcast %broadcast_in_dim3A_1110 : f32 to vector<16xf32>
    %eq3A_1112 = arith.constant 0 : i32
    %eq3A_1113 = vector.broadcast %eq3A_1112 : i32 to vector<16xi32>
    %eq3A_1114 = arith.cmpi eq, %select_n3A_1109, %eq3A_1113 : vector<16xi32>
    %get3A_1115 = arith.constant 0 : i32
    %get3A_1116 = arith.index_cast %get3A_1115 : i32 to index
    %get3A_1117 = arith.constant 0 : index
    %get3A_1118 = tpu.vector_load %arg6[%get3A_1116, %get3A_1117] {strides = array<i32>} : memref<8x16xf32, #tpu.memory_space<vmem>>, vector<1x16xf32>,
    %get3A_1119 = vector.shape_cast %get3A_1118 : vector<1x16xf32> to vector<16xf32>
    %select_n3A_1120 = arith.select %eq3A_1114, %get3A_1119, %broadcast_in_dim3A_1111 : vector<16xi1>, vector<16xf32>
    %eq3A_1121 = arith.constant 1 : i32
    %eq3A_1122 = vector.broadcast %eq3A_1121 : i32 to vector<16xi32>
    %eq3A_1123 = arith.cmpi eq, %select_n3A_1109, %eq3A_1122 : vector<16xi32>
    %get3A_1124 = arith.constant 1 : i32
    %get3A_1125 = arith.index_cast %get3A_1124 : i32 to index
    %get3A_1126 = arith.constant 0 : index
    %get3A_1127 = tpu.vector_load %arg6[%get3A_1125, %get3A_1126] {strides = array<i32>} : memref<8x16xf32, #tpu.memory_space<vmem>>, vector<1x16xf32>,
    %get3A_1128 = vector.shape_cast %get3A_1127 : vector<1x16xf32> to vector<16xf32>
    %select_n3A_1129 = arith.select %eq3A_1123, %get3A_1128, %select_n3A_1120 : vector<16xi1>, vector<16xf32>
    %eq3A_1130 = arith.constant 2 : i32
    %eq3A_1131 = vector.broadcast %eq3A_1130 : i32 to vector<16xi32>
    %eq3A_1132 = arith.cmpi eq, %select_n3A_1109, %eq3A_1131 : vector<16xi32>
    %get3A_1133 = arith.constant 2 : i32
    %get3A_1134 = arith.index_cast %get3A_1133 : i32 to index
    %get3A_1135 = arith.constant 0 : index
    %get3A_1136 = tpu.vector_load %arg6[%get3A_1134, %get3A_1135] {strides = array<i32>} : memref<8x16xf32, #tpu.memory_space<vmem>>, vector<1x16xf32>,
    %get3A_1137 = vector.shape_cast %get3A_1136 : vector<1x16xf32> to vector<16xf32>
    %select_n3A_1138 = arith.select %eq3A_1132, %get3A_1137, %select_n3A_1129 : vector<16xi1>, vector<16xf32>
    %eq3A_1139 = arith.constant 3 : i32
    %eq3A_1140 = vector.broadcast %eq3A_1139 : i32 to vector<16xi32>
    %eq3A_1141 = arith.cmpi eq, %select_n3A_1109, %eq3A_1140 : vector<16xi32>
    %get3A_1142 = arith.constant 3 : i32
    %get3A_1143 = arith.index_cast %get3A_1142 : i32 to index
    %get3A_1144 = arith.constant 0 : index
    %get3A_1145 = tpu.vector_load %arg6[%get3A_1143, %get3A_1144] {strides = array<i32>} : memref<8x16xf32, #tpu.memory_space<vmem>>, vector<1x16xf32>,
    %get3A_1146 = vector.shape_cast %get3A_1145 : vector<1x16xf32> to vector<16xf32>
    %select_n3A_1147 = arith.select %eq3A_1141, %get3A_1146, %select_n3A_1138 : vector<16xi1>, vector<16xf32>
    %eq3A_1148 = arith.constant 4 : i32
    %eq3A_1149 = vector.broadcast %eq3A_1148 : i32 to vector<16xi32>
    %eq3A_1150 = arith.cmpi eq, %select_n3A_1109, %eq3A_1149 : vector<16xi32>
    %get3A_1151 = arith.constant 4 : i32
    %get3A_1152 = arith.index_cast %get3A_1151 : i32 to index
    %get3A_1153 = arith.constant 0 : index
    %get3A_1154 = tpu.vector_load %arg6[%get3A_1152, %get3A_1153] {strides = array<i32>} : memref<8x16xf32, #tpu.memory_space<vmem>>, vector<1x16xf32>,
    %get3A_1155 = vector.shape_cast %get3A_1154 : vector<1x16xf32> to vector<16xf32>
    %select_n3A_1156 = arith.select %eq3A_1150, %get3A_1155, %select_n3A_1147 : vector<16xi1>, vector<16xf32>
    %eq3A_1157 = arith.constant 5 : i32
    %eq3A_1158 = vector.broadcast %eq3A_1157 : i32 to vector<16xi32>
    %eq3A_1159 = arith.cmpi eq, %select_n3A_1109, %eq3A_1158 : vector<16xi32>
    %get3A_1160 = arith.constant 5 : i32
    %get3A_1161 = arith.index_cast %get3A_1160 : i32 to index
    %get3A_1162 = arith.constant 0 : index
    %get3A_1163 = tpu.vector_load %arg6[%get3A_1161, %get3A_1162] {strides = array<i32>} : memref<8x16xf32, #tpu.memory_space<vmem>>, vector<1x16xf32>,
    %get3A_1164 = vector.shape_cast %get3A_1163 : vector<1x16xf32> to vector<16xf32>
    %select_n3A_1165 = arith.select %eq3A_1159, %get3A_1164, %select_n3A_1156 : vector<16xi1>, vector<16xf32>
    %eq3A_1166 = arith.constant 6 : i32
    %eq3A_1167 = vector.broadcast %eq3A_1166 : i32 to vector<16xi32>
    %eq3A_1168 = arith.cmpi eq, %select_n3A_1109, %eq3A_1167 : vector<16xi32>
    %get3A_1169 = arith.constant 6 : i32
    %get3A_1170 = arith.index_cast %get3A_1169 : i32 to index
    %get3A_1171 = arith.constant 0 : index
    %get3A_1172 = tpu.vector_load %arg6[%get3A_1170, %get3A_1171] {strides = array<i32>} : memref<8x16xf32, #tpu.memory_space<vmem>>, vector<1x16xf32>,
    %get3A_1173 = vector.shape_cast %get3A_1172 : vector<1x16xf32> to vector<16xf32>
    %select_n3A_1174 = arith.select %eq3A_1168, %get3A_1173, %select_n3A_1165 : vector<16xi1>, vector<16xf32>
    %eq3A_1175 = arith.constant 7 : i32
    %eq3A_1176 = vector.broadcast %eq3A_1175 : i32 to vector<16xi32>
    %eq3A_1177 = arith.cmpi eq, %select_n3A_1109, %eq3A_1176 : vector<16xi32>
    %get3A_1178 = arith.constant 7 : i32
    %get3A_1179 = arith.index_cast %get3A_1178 : i32 to index
    %get3A_1180 = arith.constant 0 : index
    %get3A_1181 = tpu.vector_load %arg6[%get3A_1179, %get3A_1180] {strides = array<i32>} : memref<8x16xf32, #tpu.memory_space<vmem>>, vector<1x16xf32>,
    %get3A_1182 = vector.shape_cast %get3A_1181 : vector<1x16xf32> to vector<16xf32>
    %select_n3A_1183 = arith.select %eq3A_1177, %get3A_1182, %select_n3A_1174 : vector<16xi1>, vector<16xf32>
    %swap3A_1184 = arith.constant 208 : index
    %swap3A_1185 = tpu.vector_load %arg9[%swap3A_1184] {strides = array<i32>} : memref<16384xf32, #tpu.memory_space<vmem>>, vector<16xf32>,
    %swap3A_1186 = vector.shape_cast %swap3A_1185 : vector<16xf32> to vector<16xf32>
    %swap3A_1187 = vector.shape_cast %select_n3A_1183 : vector<16xf32> to vector<16xf32>
    tpu.vector_store %arg9[%swap3A_1184], %swap3A_1187 {strides = array<i32>} : memref<16384xf32, #tpu.memory_space<vmem>>, vector<16xf32>,
    %get3A_1188 = arith.constant 224 : index
    %get3A_1189 = tpu.vector_load %arg7[%get3A_1188] {strides = array<i32>} : memref<256xi32, #tpu.memory_space<vmem>>, vector<16xi32>,
    %get3A_1190 = vector.shape_cast %get3A_1189 : vector<16xi32> to vector<16xi32>
    %get3A_1191 = arith.constant 224 : index
    %get3A_1192 = tpu.vector_load %arg8[%get3A_1191] {strides = array<i32>} : memref<256xi32, #tpu.memory_space<vmem>>, vector<16xi32>,
    %get3A_1193 = vector.shape_cast %get3A_1192 : vector<16xi32> to vector<16xi32>
    %select_n3A_1194 = arith.select %lt3A_2, %get3A_1190, %get3A_1193 : vector<16xi32>
    %broadcast_in_dim3A_1195 = arith.constant 0.000000e+00 : f32
    %broadcast_in_dim3A_1196 = vector.broadcast %broadcast_in_dim3A_1195 : f32 to vector<16xf32>
    %eq3A_1197 = arith.constant 0 : i32
    %eq3A_1198 = vector.broadcast %eq3A_1197 : i32 to vector<16xi32>
    %eq3A_1199 = arith.cmpi eq, %select_n3A_1194, %eq3A_1198 : vector<16xi32>
    %get3A_1200 = arith.constant 0 : i32
    %get3A_1201 = arith.index_cast %get3A_1200 : i32 to index
    %get3A_1202 = arith.constant 0 : index
    %get3A_1203 = tpu.vector_load %arg6[%get3A_1201, %get3A_1202] {strides = array<i32>} : memref<8x16xf32, #tpu.memory_space<vmem>>, vector<1x16xf32>,
    %get3A_1204 = vector.shape_cast %get3A_1203 : vector<1x16xf32> to vector<16xf32>
    %select_n3A_1205 = arith.select %eq3A_1199, %get3A_1204, %broadcast_in_dim3A_1196 : vector<16xi1>, vector<16xf32>
    %eq3A_1206 = arith.constant 1 : i32
    %eq3A_1207 = vector.broadcast %eq3A_1206 : i32 to vector<16xi32>
    %eq3A_1208 = arith.cmpi eq, %select_n3A_1194, %eq3A_1207 : vector<16xi32>
    %get3A_1209 = arith.constant 1 : i32
    %get3A_1210 = arith.index_cast %get3A_1209 : i32 to index
    %get3A_1211 = arith.constant 0 : index
    %get3A_1212 = tpu.vector_load %arg6[%get3A_1210, %get3A_1211] {strides = array<i32>} : memref<8x16xf32, #tpu.memory_space<vmem>>, vector<1x16xf32>,
    %get3A_1213 = vector.shape_cast %get3A_1212 : vector<1x16xf32> to vector<16xf32>
    %select_n3A_1214 = arith.select %eq3A_1208, %get3A_1213, %select_n3A_1205 : vector<16xi1>, vector<16xf32>
    %eq3A_1215 = arith.constant 2 : i32
    %eq3A_1216 = vector.broadcast %eq3A_1215 : i32 to vector<16xi32>
    %eq3A_1217 = arith.cmpi eq, %select_n3A_1194, %eq3A_1216 : vector<16xi32>
    %get3A_1218 = arith.constant 2 : i32
    %get3A_1219 = arith.index_cast %get3A_1218 : i32 to index
    %get3A_1220 = arith.constant 0 : index
    %get3A_1221 = tpu.vector_load %arg6[%get3A_1219, %get3A_1220] {strides = array<i32>} : memref<8x16xf32, #tpu.memory_space<vmem>>, vector<1x16xf32>,
    %get3A_1222 = vector.shape_cast %get3A_1221 : vector<1x16xf32> to vector<16xf32>
    %select_n3A_1223 = arith.select %eq3A_1217, %get3A_1222, %select_n3A_1214 : vector<16xi1>, vector<16xf32>
    %eq3A_1224 = arith.constant 3 : i32
    %eq3A_1225 = vector.broadcast %eq3A_1224 : i32 to vector<16xi32>
    %eq3A_1226 = arith.cmpi eq, %select_n3A_1194, %eq3A_1225 : vector<16xi32>
    %get3A_1227 = arith.constant 3 : i32
    %get3A_1228 = arith.index_cast %get3A_1227 : i32 to index
    %get3A_1229 = arith.constant 0 : index
    %get3A_1230 = tpu.vector_load %arg6[%get3A_1228, %get3A_1229] {strides = array<i32>} : memref<8x16xf32, #tpu.memory_space<vmem>>, vector<1x16xf32>,
    %get3A_1231 = vector.shape_cast %get3A_1230 : vector<1x16xf32> to vector<16xf32>
    %select_n3A_1232 = arith.select %eq3A_1226, %get3A_1231, %select_n3A_1223 : vector<16xi1>, vector<16xf32>
    %eq3A_1233 = arith.constant 4 : i32
    %eq3A_1234 = vector.broadcast %eq3A_1233 : i32 to vector<16xi32>
    %eq3A_1235 = arith.cmpi eq, %select_n3A_1194, %eq3A_1234 : vector<16xi32>
    %get3A_1236 = arith.constant 4 : i32
    %get3A_1237 = arith.index_cast %get3A_1236 : i32 to index
    %get3A_1238 = arith.constant 0 : index
    %get3A_1239 = tpu.vector_load %arg6[%get3A_1237, %get3A_1238] {strides = array<i32>} : memref<8x16xf32, #tpu.memory_space<vmem>>, vector<1x16xf32>,
    %get3A_1240 = vector.shape_cast %get3A_1239 : vector<1x16xf32> to vector<16xf32>
    %select_n3A_1241 = arith.select %eq3A_1235, %get3A_1240, %select_n3A_1232 : vector<16xi1>, vector<16xf32>
    %eq3A_1242 = arith.constant 5 : i32
    %eq3A_1243 = vector.broadcast %eq3A_1242 : i32 to vector<16xi32>
    %eq3A_1244 = arith.cmpi eq, %select_n3A_1194, %eq3A_1243 : vector<16xi32>
    %get3A_1245 = arith.constant 5 : i32
    %get3A_1246 = arith.index_cast %get3A_1245 : i32 to index
    %get3A_1247 = arith.constant 0 : index
    %get3A_1248 = tpu.vector_load %arg6[%get3A_1246, %get3A_1247] {strides = array<i32>} : memref<8x16xf32, #tpu.memory_space<vmem>>, vector<1x16xf32>,
    %get3A_1249 = vector.shape_cast %get3A_1248 : vector<1x16xf32> to vector<16xf32>
    %select_n3A_1250 = arith.select %eq3A_1244, %get3A_1249, %select_n3A_1241 : vector<16xi1>, vector<16xf32>
    %eq3A_1251 = arith.constant 6 : i32
    %eq3A_1252 = vector.broadcast %eq3A_1251 : i32 to vector<16xi32>
    %eq3A_1253 = arith.cmpi eq, %select_n3A_1194, %eq3A_1252 : vector<16xi32>
    %get3A_1254 = arith.constant 6 : i32
    %get3A_1255 = arith.index_cast %get3A_1254 : i32 to index
    %get3A_1256 = arith.constant 0 : index
    %get3A_1257 = tpu.vector_load %arg6[%get3A_1255, %get3A_1256] {strides = array<i32>} : memref<8x16xf32, #tpu.memory_space<vmem>>, vector<1x16xf32>,
    %get3A_1258 = vector.shape_cast %get3A_1257 : vector<1x16xf32> to vector<16xf32>
    %select_n3A_1259 = arith.select %eq3A_1253, %get3A_1258, %select_n3A_1250 : vector<16xi1>, vector<16xf32>
    %eq3A_1260 = arith.constant 7 : i32
    %eq3A_1261 = vector.broadcast %eq3A_1260 : i32 to vector<16xi32>
    %eq3A_1262 = arith.cmpi eq, %select_n3A_1194, %eq3A_1261 : vector<16xi32>
    %get3A_1263 = arith.constant 7 : i32
    %get3A_1264 = arith.index_cast %get3A_1263 : i32 to index
    %get3A_1265 = arith.constant 0 : index
    %get3A_1266 = tpu.vector_load %arg6[%get3A_1264, %get3A_1265] {strides = array<i32>} : memref<8x16xf32, #tpu.memory_space<vmem>>, vector<1x16xf32>,
    %get3A_1267 = vector.shape_cast %get3A_1266 : vector<1x16xf32> to vector<16xf32>
    %select_n3A_1268 = arith.select %eq3A_1262, %get3A_1267, %select_n3A_1259 : vector<16xi1>, vector<16xf32>
    %swap3A_1269 = arith.constant 224 : index
    %swap3A_1270 = tpu.vector_load %arg9[%swap3A_1269] {strides = array<i32>} : memref<16384xf32, #tpu.memory_space<vmem>>, vector<16xf32>,
    %swap3A_1271 = vector.shape_cast %swap3A_1270 : vector<16xf32> to vector<16xf32>
    %swap3A_1272 = vector.shape_cast %select_n3A_1268 : vector<16xf32> to vector<16xf32>
    tpu.vector_store %arg9[%swap3A_1269], %swap3A_1272 {strides = array<i32>} : memref<16384xf32, #tpu.memory_space<vmem>>, vector<16xf32>,
    %get3A_1273 = arith.constant 240 : index
    %get3A_1274 = tpu.vector_load %arg7[%get3A_1273] {strides = array<i32>} : memref<256xi32, #tpu.memory_space<vmem>>, vector<16xi32>,
    %get3A_1275 = vector.shape_cast %get3A_1274 : vector<16xi32> to vector<16xi32>
    %get3A_1276 = arith.constant 240 : index
    %get3A_1277 = tpu.vector_load %arg8[%get3A_1276] {strides = array<i32>} : memref<256xi32, #tpu.memory_space<vmem>>, vector<16xi32>,
    %get3A_1278 = vector.shape_cast %get3A_1277 : vector<16xi32> to vector<16xi32>
    %select_n3A_1279 = arith.select %lt3A_2, %get3A_1275, %get3A_1278 : vector<16xi32>
    %broadcast_in_dim3A_1280 = arith.constant 0.000000e+00 : f32
    %broadcast_in_dim3A_1281 = vector.broadcast %broadcast_in_dim3A_1280 : f32 to vector<16xf32>
    %eq3A_1282 = arith.constant 0 : i32
    %eq3A_1283 = vector.broadcast %eq3A_1282 : i32 to vector<16xi32>
    %eq3A_1284 = arith.cmpi eq, %select_n3A_1279, %eq3A_1283 : vector<16xi32>
    %get3A_1285 = arith.constant 0 : i32
    %get3A_1286 = arith.index_cast %get3A_1285 : i32 to index
    %get3A_1287 = arith.constant 0 : index
    %get3A_1288 = tpu.vector_load %arg6[%get3A_1286, %get3A_1287] {strides = array<i32>} : memref<8x16xf32, #tpu.memory_space<vmem>>, vector<1x16xf32>,
    %get3A_1289 = vector.shape_cast %get3A_1288 : vector<1x16xf32> to vector<16xf32>
    %select_n3A_1290 = arith.select %eq3A_1284, %get3A_1289, %broadcast_in_dim3A_1281 : vector<16xi1>, vector<16xf32>
    %eq3A_1291 = arith.constant 1 : i32
    %eq3A_1292 = vector.broadcast %eq3A_1291 : i32 to vector<16xi32>
    %eq3A_1293 = arith.cmpi eq, %select_n3A_1279, %eq3A_1292 : vector<16xi32>
    %get3A_1294 = arith.constant 1 : i32
    %get3A_1295 = arith.index_cast %get3A_1294 : i32 to index
    %get3A_1296 = arith.constant 0 : index
    %get3A_1297 = tpu.vector_load %arg6[%get3A_1295, %get3A_1296] {strides = array<i32>} : memref<8x16xf32, #tpu.memory_space<vmem>>, vector<1x16xf32>,
    %get3A_1298 = vector.shape_cast %get3A_1297 : vector<1x16xf32> to vector<16xf32>
    %select_n3A_1299 = arith.select %eq3A_1293, %get3A_1298, %select_n3A_1290 : vector<16xi1>, vector<16xf32>
    %eq3A_1300 = arith.constant 2 : i32
    %eq3A_1301 = vector.broadcast %eq3A_1300 : i32 to vector<16xi32>
    %eq3A_1302 = arith.cmpi eq, %select_n3A_1279, %eq3A_1301 : vector<16xi32>
    %get3A_1303 = arith.constant 2 : i32
    %get3A_1304 = arith.index_cast %get3A_1303 : i32 to index
    %get3A_1305 = arith.constant 0 : index
    %get3A_1306 = tpu.vector_load %arg6[%get3A_1304, %get3A_1305] {strides = array<i32>} : memref<8x16xf32, #tpu.memory_space<vmem>>, vector<1x16xf32>,
    %get3A_1307 = vector.shape_cast %get3A_1306 : vector<1x16xf32> to vector<16xf32>
    %select_n3A_1308 = arith.select %eq3A_1302, %get3A_1307, %select_n3A_1299 : vector<16xi1>, vector<16xf32>
    %eq3A_1309 = arith.constant 3 : i32
    %eq3A_1310 = vector.broadcast %eq3A_1309 : i32 to vector<16xi32>
    %eq3A_1311 = arith.cmpi eq, %select_n3A_1279, %eq3A_1310 : vector<16xi32>
    %get3A_1312 = arith.constant 3 : i32
    %get3A_1313 = arith.index_cast %get3A_1312 : i32 to index
    %get3A_1314 = arith.constant 0 : index
    %get3A_1315 = tpu.vector_load %arg6[%get3A_1313, %get3A_1314] {strides = array<i32>} : memref<8x16xf32, #tpu.memory_space<vmem>>, vector<1x16xf32>,
    %get3A_1316 = vector.shape_cast %get3A_1315 : vector<1x16xf32> to vector<16xf32>
    %select_n3A_1317 = arith.select %eq3A_1311, %get3A_1316, %select_n3A_1308 : vector<16xi1>, vector<16xf32>
    %eq3A_1318 = arith.constant 4 : i32
    %eq3A_1319 = vector.broadcast %eq3A_1318 : i32 to vector<16xi32>
    %eq3A_1320 = arith.cmpi eq, %select_n3A_1279, %eq3A_1319 : vector<16xi32>
    %get3A_1321 = arith.constant 4 : i32
    %get3A_1322 = arith.index_cast %get3A_1321 : i32 to index
    %get3A_1323 = arith.constant 0 : index
    %get3A_1324 = tpu.vector_load %arg6[%get3A_1322, %get3A_1323] {strides = array<i32>} : memref<8x16xf32, #tpu.memory_space<vmem>>, vector<1x16xf32>,
    %get3A_1325 = vector.shape_cast %get3A_1324 : vector<1x16xf32> to vector<16xf32>
    %select_n3A_1326 = arith.select %eq3A_1320, %get3A_1325, %select_n3A_1317 : vector<16xi1>, vector<16xf32>
    %eq3A_1327 = arith.constant 5 : i32
    %eq3A_1328 = vector.broadcast %eq3A_1327 : i32 to vector<16xi32>
    %eq3A_1329 = arith.cmpi eq, %select_n3A_1279, %eq3A_1328 : vector<16xi32>
    %get3A_1330 = arith.constant 5 : i32
    %get3A_1331 = arith.index_cast %get3A_1330 : i32 to index
    %get3A_1332 = arith.constant 0 : index
    %get3A_1333 = tpu.vector_load %arg6[%get3A_1331, %get3A_1332] {strides = array<i32>} : memref<8x16xf32, #tpu.memory_space<vmem>>, vector<1x16xf32>,
    %get3A_1334 = vector.shape_cast %get3A_1333 : vector<1x16xf32> to vector<16xf32>
    %select_n3A_1335 = arith.select %eq3A_1329, %get3A_1334, %select_n3A_1326 : vector<16xi1>, vector<16xf32>
    %eq3A_1336 = arith.constant 6 : i32
    %eq3A_1337 = vector.broadcast %eq3A_1336 : i32 to vector<16xi32>
    %eq3A_1338 = arith.cmpi eq, %select_n3A_1279, %eq3A_1337 : vector<16xi32>
    %get3A_1339 = arith.constant 6 : i32
    %get3A_1340 = arith.index_cast %get3A_1339 : i32 to index
    %get3A_1341 = arith.constant 0 : index
    %get3A_1342 = tpu.vector_load %arg6[%get3A_1340, %get3A_1341] {strides = array<i32>} : memref<8x16xf32, #tpu.memory_space<vmem>>, vector<1x16xf32>,
    %get3A_1343 = vector.shape_cast %get3A_1342 : vector<1x16xf32> to vector<16xf32>
    %select_n3A_1344 = arith.select %eq3A_1338, %get3A_1343, %select_n3A_1335 : vector<16xi1>, vector<16xf32>
    %eq3A_1345 = arith.constant 7 : i32
    %eq3A_1346 = vector.broadcast %eq3A_1345 : i32 to vector<16xi32>
    %eq3A_1347 = arith.cmpi eq, %select_n3A_1279, %eq3A_1346 : vector<16xi32>
    %get3A_1348 = arith.constant 7 : i32
    %get3A_1349 = arith.index_cast %get3A_1348 : i32 to index
    %get3A_1350 = arith.constant 0 : index
    %get3A_1351 = tpu.vector_load %arg6[%get3A_1349, %get3A_1350] {strides = array<i32>} : memref<8x16xf32, #tpu.memory_space<vmem>>, vector<1x16xf32>,
    %get3A_1352 = vector.shape_cast %get3A_1351 : vector<1x16xf32> to vector<16xf32>
    %select_n3A_1353 = arith.select %eq3A_1347, %get3A_1352, %select_n3A_1344 : vector<16xi1>, vector<16xf32>
    %swap3A_1354 = arith.constant 240 : index
    %swap3A_1355 = tpu.vector_load %arg9[%swap3A_1354] {strides = array<i32>} : memref<16384xf32, #tpu.memory_space<vmem>>, vector<16xf32>,
    %swap3A_1356 = vector.shape_cast %swap3A_1355 : vector<16xf32> to vector<16xf32>
    %swap3A_1357 = vector.shape_cast %select_n3A_1353 : vector<16xf32> to vector<16xf32>
    tpu.vector_store %arg9[%swap3A_1354], %swap3A_1357 {strides = array<i32>} : memref<16384xf32, #tpu.memory_space<vmem>>, vector<16xf32>,
    %scan3A = arith.constant 0 : i32
    %scan3A_1358 = arith.constant 63 : i32
    %scan3A_1359 = arith.addi %scan3A, %scan3A_1358 : i32
    %scan3A_1360 = arith.constant 1 : i32
    scf.for %scan3A_1371 = %scan3A to %scan3A_1359 step %scan3A_1360  : i32 {
      %mul3A_1372 = arith.constant 1 : i32
      %mul3A_1373 = arith.muli %scan3A_1371, %mul3A_1372 : i32
      %add3A_1374 = arith.constant 1 : i32
      %add3A_1375 = arith.addi %add3A_1374, %mul3A_1373 : i32
      %get3A_1376 = arith.constant 0 : index
      %get3A_1377 = tpu.vector_load %arg9[%get3A_1376] {strides = array<i32>} : memref<16384xf32, #tpu.memory_space<vmem>>, vector<16xf32>,
      %get3A_1378 = vector.shape_cast %get3A_1377 : vector<16xf32> to vector<16xf32>
      %mul3A_1379 = arith.constant 256 : i32
      %mul3A_1380 = arith.muli %add3A_1375, %mul3A_1379 : i32
      %add3A_1381 = arith.constant 0 : i32
      %add3A_1382 = arith.addi %mul3A_1380, %add3A_1381 : i32
      %swap3A_1383 = arith.index_cast %add3A_1382 : i32 to index
      %swap3A_1384 = tpu.vector_load %arg9[%swap3A_1383] {strides = array<i32>} : memref<16384xf32, #tpu.memory_space<vmem>>, vector<16xf32>,
      %swap3A_1385 = vector.shape_cast %swap3A_1384 : vector<16xf32> to vector<16xf32>
      %swap3A_1386 = vector.shape_cast %get3A_1378 : vector<16xf32> to vector<16xf32>
      tpu.vector_store %arg9[%swap3A_1383], %swap3A_1386 {strides = array<i32>} : memref<16384xf32, #tpu.memory_space<vmem>>, vector<16xf32>,
      %get3A_1387 = arith.constant 16 : index
      %get3A_1388 = tpu.vector_load %arg9[%get3A_1387] {strides = array<i32>} : memref<16384xf32, #tpu.memory_space<vmem>>, vector<16xf32>,
      %get3A_1389 = vector.shape_cast %get3A_1388 : vector<16xf32> to vector<16xf32>
      %mul3A_1390 = arith.constant 256 : i32
      %mul3A_1391 = arith.muli %add3A_1375, %mul3A_1390 : i32
      %add3A_1392 = arith.constant 16 : i32
      %add3A_1393 = arith.addi %mul3A_1391, %add3A_1392 : i32
      %swap3A_1394 = arith.index_cast %add3A_1393 : i32 to index
      %swap3A_1395 = tpu.vector_load %arg9[%swap3A_1394] {strides = array<i32>} : memref<16384xf32, #tpu.memory_space<vmem>>, vector<16xf32>,
      %swap3A_1396 = vector.shape_cast %swap3A_1395 : vector<16xf32> to vector<16xf32>
      %swap3A_1397 = vector.shape_cast %get3A_1389 : vector<16xf32> to vector<16xf32>
      tpu.vector_store %arg9[%swap3A_1394], %swap3A_1397 {strides = array<i32>} : memref<16384xf32, #tpu.memory_space<vmem>>, vector<16xf32>,
      %get3A_1398 = arith.constant 32 : index
      %get3A_1399 = tpu.vector_load %arg9[%get3A_1398] {strides = array<i32>} : memref<16384xf32, #tpu.memory_space<vmem>>, vector<16xf32>,
      %get3A_1400 = vector.shape_cast %get3A_1399 : vector<16xf32> to vector<16xf32>
      %mul3A_1401 = arith.constant 256 : i32
      %mul3A_1402 = arith.muli %add3A_1375, %mul3A_1401 : i32
      %add3A_1403 = arith.constant 32 : i32
      %add3A_1404 = arith.addi %mul3A_1402, %add3A_1403 : i32
      %swap3A_1405 = arith.index_cast %add3A_1404 : i32 to index
      %swap3A_1406 = tpu.vector_load %arg9[%swap3A_1405] {strides = array<i32>} : memref<16384xf32, #tpu.memory_space<vmem>>, vector<16xf32>,
      %swap3A_1407 = vector.shape_cast %swap3A_1406 : vector<16xf32> to vector<16xf32>
      %swap3A_1408 = vector.shape_cast %get3A_1400 : vector<16xf32> to vector<16xf32>
      tpu.vector_store %arg9[%swap3A_1405], %swap3A_1408 {strides = array<i32>} : memref<16384xf32, #tpu.memory_space<vmem>>, vector<16xf32>,
      %get3A_1409 = arith.constant 48 : index
      %get3A_1410 = tpu.vector_load %arg9[%get3A_1409] {strides = array<i32>} : memref<16384xf32, #tpu.memory_space<vmem>>, vector<16xf32>,
      %get3A_1411 = vector.shape_cast %get3A_1410 : vector<16xf32> to vector<16xf32>
      %mul3A_1412 = arith.constant 256 : i32
      %mul3A_1413 = arith.muli %add3A_1375, %mul3A_1412 : i32
      %add3A_1414 = arith.constant 48 : i32
      %add3A_1415 = arith.addi %mul3A_1413, %add3A_1414 : i32
      %swap3A_1416 = arith.index_cast %add3A_1415 : i32 to index
      %swap3A_1417 = tpu.vector_load %arg9[%swap3A_1416] {strides = array<i32>} : memref<16384xf32, #tpu.memory_space<vmem>>, vector<16xf32>,
      %swap3A_1418 = vector.shape_cast %swap3A_1417 : vector<16xf32> to vector<16xf32>
      %swap3A_1419 = vector.shape_cast %get3A_1411 : vector<16xf32> to vector<16xf32>
      tpu.vector_store %arg9[%swap3A_1416], %swap3A_1419 {strides = array<i32>} : memref<16384xf32, #tpu.memory_space<vmem>>, vector<16xf32>,
      %get3A_1420 = arith.constant 64 : index
      %get3A_1421 = tpu.vector_load %arg9[%get3A_1420] {strides = array<i32>} : memref<16384xf32, #tpu.memory_space<vmem>>, vector<16xf32>,
      %get3A_1422 = vector.shape_cast %get3A_1421 : vector<16xf32> to vector<16xf32>
      %mul3A_1423 = arith.constant 256 : i32
      %mul3A_1424 = arith.muli %add3A_1375, %mul3A_1423 : i32
      %add3A_1425 = arith.constant 64 : i32
      %add3A_1426 = arith.addi %mul3A_1424, %add3A_1425 : i32
      %swap3A_1427 = arith.index_cast %add3A_1426 : i32 to index
      %swap3A_1428 = tpu.vector_load %arg9[%swap3A_1427] {strides = array<i32>} : memref<16384xf32, #tpu.memory_space<vmem>>, vector<16xf32>,
      %swap3A_1429 = vector.shape_cast %swap3A_1428 : vector<16xf32> to vector<16xf32>
      %swap3A_1430 = vector.shape_cast %get3A_1422 : vector<16xf32> to vector<16xf32>
      tpu.vector_store %arg9[%swap3A_1427], %swap3A_1430 {strides = array<i32>} : memref<16384xf32, #tpu.memory_space<vmem>>, vector<16xf32>,
      %get3A_1431 = arith.constant 80 : index
      %get3A_1432 = tpu.vector_load %arg9[%get3A_1431] {strides = array<i32>} : memref<16384xf32, #tpu.memory_space<vmem>>, vector<16xf32>,
      %get3A_1433 = vector.shape_cast %get3A_1432 : vector<16xf32> to vector<16xf32>
      %mul3A_1434 = arith.constant 256 : i32
      %mul3A_1435 = arith.muli %add3A_1375, %mul3A_1434 : i32
      %add3A_1436 = arith.constant 80 : i32
      %add3A_1437 = arith.addi %mul3A_1435, %add3A_1436 : i32
      %swap3A_1438 = arith.index_cast %add3A_1437 : i32 to index
      %swap3A_1439 = tpu.vector_load %arg9[%swap3A_1438] {strides = array<i32>} : memref<16384xf32, #tpu.memory_space<vmem>>, vector<16xf32>,
      %swap3A_1440 = vector.shape_cast %swap3A_1439 : vector<16xf32> to vector<16xf32>
      %swap3A_1441 = vector.shape_cast %get3A_1433 : vector<16xf32> to vector<16xf32>
      tpu.vector_store %arg9[%swap3A_1438], %swap3A_1441 {strides = array<i32>} : memref<16384xf32, #tpu.memory_space<vmem>>, vector<16xf32>,
      %get3A_1442 = arith.constant 96 : index
      %get3A_1443 = tpu.vector_load %arg9[%get3A_1442] {strides = array<i32>} : memref<16384xf32, #tpu.memory_space<vmem>>, vector<16xf32>,
      %get3A_1444 = vector.shape_cast %get3A_1443 : vector<16xf32> to vector<16xf32>
      %mul3A_1445 = arith.constant 256 : i32
      %mul3A_1446 = arith.muli %add3A_1375, %mul3A_1445 : i32
      %add3A_1447 = arith.constant 96 : i32
      %add3A_1448 = arith.addi %mul3A_1446, %add3A_1447 : i32
      %swap3A_1449 = arith.index_cast %add3A_1448 : i32 to index
      %swap3A_1450 = tpu.vector_load %arg9[%swap3A_1449] {strides = array<i32>} : memref<16384xf32, #tpu.memory_space<vmem>>, vector<16xf32>,
      %swap3A_1451 = vector.shape_cast %swap3A_1450 : vector<16xf32> to vector<16xf32>
      %swap3A_1452 = vector.shape_cast %get3A_1444 : vector<16xf32> to vector<16xf32>
      tpu.vector_store %arg9[%swap3A_1449], %swap3A_1452 {strides = array<i32>} : memref<16384xf32, #tpu.memory_space<vmem>>, vector<16xf32>,
      %get3A_1453 = arith.constant 112 : index
      %get3A_1454 = tpu.vector_load %arg9[%get3A_1453] {strides = array<i32>} : memref<16384xf32, #tpu.memory_space<vmem>>, vector<16xf32>,
      %get3A_1455 = vector.shape_cast %get3A_1454 : vector<16xf32> to vector<16xf32>
      %mul3A_1456 = arith.constant 256 : i32
      %mul3A_1457 = arith.muli %add3A_1375, %mul3A_1456 : i32
      %add3A_1458 = arith.constant 112 : i32
      %add3A_1459 = arith.addi %mul3A_1457, %add3A_1458 : i32
      %swap3A_1460 = arith.index_cast %add3A_1459 : i32 to index
      %swap3A_1461 = tpu.vector_load %arg9[%swap3A_1460] {strides = array<i32>} : memref<16384xf32, #tpu.memory_space<vmem>>, vector<16xf32>,
      %swap3A_1462 = vector.shape_cast %swap3A_1461 : vector<16xf32> to vector<16xf32>
      %swap3A_1463 = vector.shape_cast %get3A_1455 : vector<16xf32> to vector<16xf32>
      tpu.vector_store %arg9[%swap3A_1460], %swap3A_1463 {strides = array<i32>} : memref<16384xf32, #tpu.memory_space<vmem>>, vector<16xf32>,
      %get3A_1464 = arith.constant 128 : index
      %get3A_1465 = tpu.vector_load %arg9[%get3A_1464] {strides = array<i32>} : memref<16384xf32, #tpu.memory_space<vmem>>, vector<16xf32>,
      %get3A_1466 = vector.shape_cast %get3A_1465 : vector<16xf32> to vector<16xf32>
      %mul3A_1467 = arith.constant 256 : i32
      %mul3A_1468 = arith.muli %add3A_1375, %mul3A_1467 : i32
      %add3A_1469 = arith.constant 128 : i32
      %add3A_1470 = arith.addi %mul3A_1468, %add3A_1469 : i32
      %swap3A_1471 = arith.index_cast %add3A_1470 : i32 to index
      %swap3A_1472 = tpu.vector_load %arg9[%swap3A_1471] {strides = array<i32>} : memref<16384xf32, #tpu.memory_space<vmem>>, vector<16xf32>,
      %swap3A_1473 = vector.shape_cast %swap3A_1472 : vector<16xf32> to vector<16xf32>
      %swap3A_1474 = vector.shape_cast %get3A_1466 : vector<16xf32> to vector<16xf32>
      tpu.vector_store %arg9[%swap3A_1471], %swap3A_1474 {strides = array<i32>} : memref<16384xf32, #tpu.memory_space<vmem>>, vector<16xf32>,
      %get3A_1475 = arith.constant 144 : index
      %get3A_1476 = tpu.vector_load %arg9[%get3A_1475] {strides = array<i32>} : memref<16384xf32, #tpu.memory_space<vmem>>, vector<16xf32>,
      %get3A_1477 = vector.shape_cast %get3A_1476 : vector<16xf32> to vector<16xf32>
      %mul3A_1478 = arith.constant 256 : i32
      %mul3A_1479 = arith.muli %add3A_1375, %mul3A_1478 : i32
      %add3A_1480 = arith.constant 144 : i32
      %add3A_1481 = arith.addi %mul3A_1479, %add3A_1480 : i32
      %swap3A_1482 = arith.index_cast %add3A_1481 : i32 to index
      %swap3A_1483 = tpu.vector_load %arg9[%swap3A_1482] {strides = array<i32>} : memref<16384xf32, #tpu.memory_space<vmem>>, vector<16xf32>,
      %swap3A_1484 = vector.shape_cast %swap3A_1483 : vector<16xf32> to vector<16xf32>
      %swap3A_1485 = vector.shape_cast %get3A_1477 : vector<16xf32> to vector<16xf32>
      tpu.vector_store %arg9[%swap3A_1482], %swap3A_1485 {strides = array<i32>} : memref<16384xf32, #tpu.memory_space<vmem>>, vector<16xf32>,
      %get3A_1486 = arith.constant 160 : index
      %get3A_1487 = tpu.vector_load %arg9[%get3A_1486] {strides = array<i32>} : memref<16384xf32, #tpu.memory_space<vmem>>, vector<16xf32>,
      %get3A_1488 = vector.shape_cast %get3A_1487 : vector<16xf32> to vector<16xf32>
      %mul3A_1489 = arith.constant 256 : i32
      %mul3A_1490 = arith.muli %add3A_1375, %mul3A_1489 : i32
      %add3A_1491 = arith.constant 160 : i32
      %add3A_1492 = arith.addi %mul3A_1490, %add3A_1491 : i32
      %swap3A_1493 = arith.index_cast %add3A_1492 : i32 to index
      %swap3A_1494 = tpu.vector_load %arg9[%swap3A_1493] {strides = array<i32>} : memref<16384xf32, #tpu.memory_space<vmem>>, vector<16xf32>,
      %swap3A_1495 = vector.shape_cast %swap3A_1494 : vector<16xf32> to vector<16xf32>
      %swap3A_1496 = vector.shape_cast %get3A_1488 : vector<16xf32> to vector<16xf32>
      tpu.vector_store %arg9[%swap3A_1493], %swap3A_1496 {strides = array<i32>} : memref<16384xf32, #tpu.memory_space<vmem>>, vector<16xf32>,
      %get3A_1497 = arith.constant 176 : index
      %get3A_1498 = tpu.vector_load %arg9[%get3A_1497] {strides = array<i32>} : memref<16384xf32, #tpu.memory_space<vmem>>, vector<16xf32>,
      %get3A_1499 = vector.shape_cast %get3A_1498 : vector<16xf32> to vector<16xf32>
      %mul3A_1500 = arith.constant 256 : i32
      %mul3A_1501 = arith.muli %add3A_1375, %mul3A_1500 : i32
      %add3A_1502 = arith.constant 176 : i32
      %add3A_1503 = arith.addi %mul3A_1501, %add3A_1502 : i32
      %swap3A_1504 = arith.index_cast %add3A_1503 : i32 to index
      %swap3A_1505 = tpu.vector_load %arg9[%swap3A_1504] {strides = array<i32>} : memref<16384xf32, #tpu.memory_space<vmem>>, vector<16xf32>,
      %swap3A_1506 = vector.shape_cast %swap3A_1505 : vector<16xf32> to vector<16xf32>
      %swap3A_1507 = vector.shape_cast %get3A_1499 : vector<16xf32> to vector<16xf32>
      tpu.vector_store %arg9[%swap3A_1504], %swap3A_1507 {strides = array<i32>} : memref<16384xf32, #tpu.memory_space<vmem>>, vector<16xf32>,
      %get3A_1508 = arith.constant 192 : index
      %get3A_1509 = tpu.vector_load %arg9[%get3A_1508] {strides = array<i32>} : memref<16384xf32, #tpu.memory_space<vmem>>, vector<16xf32>,
      %get3A_1510 = vector.shape_cast %get3A_1509 : vector<16xf32> to vector<16xf32>
      %mul3A_1511 = arith.constant 256 : i32
      %mul3A_1512 = arith.muli %add3A_1375, %mul3A_1511 : i32
      %add3A_1513 = arith.constant 192 : i32
      %add3A_1514 = arith.addi %mul3A_1512, %add3A_1513 : i32
      %swap3A_1515 = arith.index_cast %add3A_1514 : i32 to index
      %swap3A_1516 = tpu.vector_load %arg9[%swap3A_1515] {strides = array<i32>} : memref<16384xf32, #tpu.memory_space<vmem>>, vector<16xf32>,
      %swap3A_1517 = vector.shape_cast %swap3A_1516 : vector<16xf32> to vector<16xf32>
      %swap3A_1518 = vector.shape_cast %get3A_1510 : vector<16xf32> to vector<16xf32>
      tpu.vector_store %arg9[%swap3A_1515], %swap3A_1518 {strides = array<i32>} : memref<16384xf32, #tpu.memory_space<vmem>>, vector<16xf32>,
      %get3A_1519 = arith.constant 208 : index
      %get3A_1520 = tpu.vector_load %arg9[%get3A_1519] {strides = array<i32>} : memref<16384xf32, #tpu.memory_space<vmem>>, vector<16xf32>,
      %get3A_1521 = vector.shape_cast %get3A_1520 : vector<16xf32> to vector<16xf32>
      %mul3A_1522 = arith.constant 256 : i32
      %mul3A_1523 = arith.muli %add3A_1375, %mul3A_1522 : i32
      %add3A_1524 = arith.constant 208 : i32
      %add3A_1525 = arith.addi %mul3A_1523, %add3A_1524 : i32
      %swap3A_1526 = arith.index_cast %add3A_1525 : i32 to index
      %swap3A_1527 = tpu.vector_load %arg9[%swap3A_1526] {strides = array<i32>} : memref<16384xf32, #tpu.memory_space<vmem>>, vector<16xf32>,
      %swap3A_1528 = vector.shape_cast %swap3A_1527 : vector<16xf32> to vector<16xf32>
      %swap3A_1529 = vector.shape_cast %get3A_1521 : vector<16xf32> to vector<16xf32>
      tpu.vector_store %arg9[%swap3A_1526], %swap3A_1529 {strides = array<i32>} : memref<16384xf32, #tpu.memory_space<vmem>>, vector<16xf32>,
      %get3A_1530 = arith.constant 224 : index
      %get3A_1531 = tpu.vector_load %arg9[%get3A_1530] {strides = array<i32>} : memref<16384xf32, #tpu.memory_space<vmem>>, vector<16xf32>,
      %get3A_1532 = vector.shape_cast %get3A_1531 : vector<16xf32> to vector<16xf32>
      %mul3A_1533 = arith.constant 256 : i32
      %mul3A_1534 = arith.muli %add3A_1375, %mul3A_1533 : i32
      %add3A_1535 = arith.constant 224 : i32
      %add3A_1536 = arith.addi %mul3A_1534, %add3A_1535 : i32
      %swap3A_1537 = arith.index_cast %add3A_1536 : i32 to index
      %swap3A_1538 = tpu.vector_load %arg9[%swap3A_1537] {strides = array<i32>} : memref<16384xf32, #tpu.memory_space<vmem>>, vector<16xf32>,
      %swap3A_1539 = vector.shape_cast %swap3A_1538 : vector<16xf32> to vector<16xf32>
      %swap3A_1540 = vector.shape_cast %get3A_1532 : vector<16xf32> to vector<16xf32>
      tpu.vector_store %arg9[%swap3A_1537], %swap3A_1540 {strides = array<i32>} : memref<16384xf32, #tpu.memory_space<vmem>>, vector<16xf32>,
      %get3A_1541 = arith.constant 240 : index
      %get3A_1542 = tpu.vector_load %arg9[%get3A_1541] {strides = array<i32>} : memref<16384xf32, #tpu.memory_space<vmem>>, vector<16xf32>,
      %get3A_1543 = vector.shape_cast %get3A_1542 : vector<16xf32> to vector<16xf32>
      %mul3A_1544 = arith.constant 256 : i32
      %mul3A_1545 = arith.muli %add3A_1375, %mul3A_1544 : i32
      %add3A_1546 = arith.constant 240 : i32
      %add3A_1547 = arith.addi %mul3A_1545, %add3A_1546 : i32
      %swap3A_1548 = arith.index_cast %add3A_1547 : i32 to index
      %swap3A_1549 = tpu.vector_load %arg9[%swap3A_1548] {strides = array<i32>} : memref<16384xf32, #tpu.memory_space<vmem>>, vector<16xf32>,
      %swap3A_1550 = vector.shape_cast %swap3A_1549 : vector<16xf32> to vector<16xf32>
      %swap3A_1551 = vector.shape_cast %get3A_1543 : vector<16xf32> to vector<16xf32>
      tpu.vector_store %arg9[%swap3A_1548], %swap3A_1551 {strides = array<i32>} : memref<16384xf32, #tpu.memory_space<vmem>>, vector<16xf32>,
    }
    %scan3A_1361 = arith.constant 63 : i32
    %mul3A_1362 = arith.constant 64 : i32
    %mul3A_1363 = arith.muli %add3A, %mul3A_1362 : i32
    %mul3A_1364 = arith.constant 16384 : i32
    %mul3A_1365 = arith.muli %mul3A_1363, %mul3A_1364 : i32
    %scan3A_1366 = arith.constant 0 : i32
    %scan3A_1367 = arith.constant 8 : i32
    %scan3A_1368 = arith.addi %scan3A_1366, %scan3A_1367 : i32
    %scan3A_1369 = arith.constant 1 : i32
    scf.for %scan3A_1371 = %scan3A_1366 to %scan3A_1368 step %scan3A_1369  : i32 {
      %mul3A_1372 = arith.constant 8 : i32
      %mul3A_1373 = arith.muli %scan3A_1371, %mul3A_1372 : i32
      %add3A_1374 = arith.constant 0 : i32
      %add3A_1375 = arith.addi %add3A_1374, %mul3A_1373 : i32
      %add3A_1376 = arith.constant 0 : i32
      %add3A_1377 = arith.addi %add3A_1375, %add3A_1376 : i32
      %mul3A_1378 = arith.constant 16384 : i32
      %mul3A_1379 = arith.muli %add3A_1377, %mul3A_1378 : i32
      %add3A_1380 = arith.addi %mul3A_1365, %mul3A_1379 : i32
      %dma_start3A = tpu.memref_slice %arg5[%add3A_1380] : memref<33554432xf32, #tpu.memory_space<hbm>> -> memref<16384xf32, #tpu.memory_space<hbm>>
      %dma_start3A_1381 = tpu.memref_slice %arg5[%add3A_1380] : memref<33554432xf32, #tpu.memory_space<hbm>> -> memref<16384xf32, #tpu.memory_space<hbm>>
      tpu.enqueue_dma source(%arg9 : memref<16384xf32, #tpu.memory_space<vmem>>) target(%dma_start3A_1381 : memref<16384xf32, #tpu.memory_space<hbm>>) target_semaphore(%arg10 : memref<!tpu.dma_semaphore, #tpu.memory_space<semaphore_mem>>)
      %add3A_1382 = arith.constant 1 : i32
      %add3A_1383 = arith.addi %add3A_1375, %add3A_1382 : i32
      %mul3A_1384 = arith.constant 16384 : i32
      %mul3A_1385 = arith.muli %add3A_1383, %mul3A_1384 : i32
      %add3A_1386 = arith.addi %mul3A_1365, %mul3A_1385 : i32
      %dma_start3A_1387 = tpu.memref_slice %arg5[%add3A_1386] : memref<33554432xf32, #tpu.memory_space<hbm>> -> memref<16384xf32, #tpu.memory_space<hbm>>
      %dma_start3A_1388 = tpu.memref_slice %arg5[%add3A_1386] : memref<33554432xf32, #tpu.memory_space<hbm>> -> memref<16384xf32, #tpu.memory_space<hbm>>
      tpu.enqueue_dma source(%arg9 : memref<16384xf32, #tpu.memory_space<vmem>>) target(%dma_start3A_1388 : memref<16384xf32, #tpu.memory_space<hbm>>) target_semaphore(%arg10 : memref<!tpu.dma_semaphore, #tpu.memory_space<semaphore_mem>>)
      %add3A_1389 = arith.constant 2 : i32
      %add3A_1390 = arith.addi %add3A_1375, %add3A_1389 : i32
      %mul3A_1391 = arith.constant 16384 : i32
      %mul3A_1392 = arith.muli %add3A_1390, %mul3A_1391 : i32
      %add3A_1393 = arith.addi %mul3A_1365, %mul3A_1392 : i32
      %dma_start3A_1394 = tpu.memref_slice %arg5[%add3A_1393] : memref<33554432xf32, #tpu.memory_space<hbm>> -> memref<16384xf32, #tpu.memory_space<hbm>>
      %dma_start3A_1395 = tpu.memref_slice %arg5[%add3A_1393] : memref<33554432xf32, #tpu.memory_space<hbm>> -> memref<16384xf32, #tpu.memory_space<hbm>>
      tpu.enqueue_dma source(%arg9 : memref<16384xf32, #tpu.memory_space<vmem>>) target(%dma_start3A_1395 : memref<16384xf32, #tpu.memory_space<hbm>>) target_semaphore(%arg10 : memref<!tpu.dma_semaphore, #tpu.memory_space<semaphore_mem>>)
      %add3A_1396 = arith.constant 3 : i32
      %add3A_1397 = arith.addi %add3A_1375, %add3A_1396 : i32
      %mul3A_1398 = arith.constant 16384 : i32
      %mul3A_1399 = arith.muli %add3A_1397, %mul3A_1398 : i32
      %add3A_1400 = arith.addi %mul3A_1365, %mul3A_1399 : i32
      %dma_start3A_1401 = tpu.memref_slice %arg5[%add3A_1400] : memref<33554432xf32, #tpu.memory_space<hbm>> -> memref<16384xf32, #tpu.memory_space<hbm>>
      %dma_start3A_1402 = tpu.memref_slice %arg5[%add3A_1400] : memref<33554432xf32, #tpu.memory_space<hbm>> -> memref<16384xf32, #tpu.memory_space<hbm>>
      tpu.enqueue_dma source(%arg9 : memref<16384xf32, #tpu.memory_space<vmem>>) target(%dma_start3A_1402 : memref<16384xf32, #tpu.memory_space<hbm>>) target_semaphore(%arg10 : memref<!tpu.dma_semaphore, #tpu.memory_space<semaphore_mem>>)
      %add3A_1403 = arith.constant 4 : i32
      %add3A_1404 = arith.addi %add3A_1375, %add3A_1403 : i32
      %mul3A_1405 = arith.constant 16384 : i32
      %mul3A_1406 = arith.muli %add3A_1404, %mul3A_1405 : i32
      %add3A_1407 = arith.addi %mul3A_1365, %mul3A_1406 : i32
      %dma_start3A_1408 = tpu.memref_slice %arg5[%add3A_1407] : memref<33554432xf32, #tpu.memory_space<hbm>> -> memref<16384xf32, #tpu.memory_space<hbm>>
      %dma_start3A_1409 = tpu.memref_slice %arg5[%add3A_1407] : memref<33554432xf32, #tpu.memory_space<hbm>> -> memref<16384xf32, #tpu.memory_space<hbm>>
      tpu.enqueue_dma source(%arg9 : memref<16384xf32, #tpu.memory_space<vmem>>) target(%dma_start3A_1409 : memref<16384xf32, #tpu.memory_space<hbm>>) target_semaphore(%arg10 : memref<!tpu.dma_semaphore, #tpu.memory_space<semaphore_mem>>)
      %add3A_1410 = arith.constant 5 : i32
      %add3A_1411 = arith.addi %add3A_1375, %add3A_1410 : i32
      %mul3A_1412 = arith.constant 16384 : i32
      %mul3A_1413 = arith.muli %add3A_1411, %mul3A_1412 : i32
      %add3A_1414 = arith.addi %mul3A_1365, %mul3A_1413 : i32
      %dma_start3A_1415 = tpu.memref_slice %arg5[%add3A_1414] : memref<33554432xf32, #tpu.memory_space<hbm>> -> memref<16384xf32, #tpu.memory_space<hbm>>
      %dma_start3A_1416 = tpu.memref_slice %arg5[%add3A_1414] : memref<33554432xf32, #tpu.memory_space<hbm>> -> memref<16384xf32, #tpu.memory_space<hbm>>
      tpu.enqueue_dma source(%arg9 : memref<16384xf32, #tpu.memory_space<vmem>>) target(%dma_start3A_1416 : memref<16384xf32, #tpu.memory_space<hbm>>) target_semaphore(%arg10 : memref<!tpu.dma_semaphore, #tpu.memory_space<semaphore_mem>>)
      %add3A_1417 = arith.constant 6 : i32
      %add3A_1418 = arith.addi %add3A_1375, %add3A_1417 : i32
      %mul3A_1419 = arith.constant 16384 : i32
      %mul3A_1420 = arith.muli %add3A_1418, %mul3A_1419 : i32
      %add3A_1421 = arith.addi %mul3A_1365, %mul3A_1420 : i32
      %dma_start3A_1422 = tpu.memref_slice %arg5[%add3A_1421] : memref<33554432xf32, #tpu.memory_space<hbm>> -> memref<16384xf32, #tpu.memory_space<hbm>>
      %dma_start3A_1423 = tpu.memref_slice %arg5[%add3A_1421] : memref<33554432xf32, #tpu.memory_space<hbm>> -> memref<16384xf32, #tpu.memory_space<hbm>>
      tpu.enqueue_dma source(%arg9 : memref<16384xf32, #tpu.memory_space<vmem>>) target(%dma_start3A_1423 : memref<16384xf32, #tpu.memory_space<hbm>>) target_semaphore(%arg10 : memref<!tpu.dma_semaphore, #tpu.memory_space<semaphore_mem>>)
      %add3A_1424 = arith.constant 7 : i32
      %add3A_1425 = arith.addi %add3A_1375, %add3A_1424 : i32
      %mul3A_1426 = arith.constant 16384 : i32
      %mul3A_1427 = arith.muli %add3A_1425, %mul3A_1426 : i32
      %add3A_1428 = arith.addi %mul3A_1365, %mul3A_1427 : i32
      %dma_start3A_1429 = tpu.memref_slice %arg5[%add3A_1428] : memref<33554432xf32, #tpu.memory_space<hbm>> -> memref<16384xf32, #tpu.memory_space<hbm>>
      %dma_start3A_1430 = tpu.memref_slice %arg5[%add3A_1428] : memref<33554432xf32, #tpu.memory_space<hbm>> -> memref<16384xf32, #tpu.memory_space<hbm>>
      tpu.enqueue_dma source(%arg9 : memref<16384xf32, #tpu.memory_space<vmem>>) target(%dma_start3A_1430 : memref<16384xf32, #tpu.memory_space<hbm>>) target_semaphore(%arg10 : memref<!tpu.dma_semaphore, #tpu.memory_space<semaphore_mem>>)
      %add3A_1431 = arith.constant 0 : i32
      %add3A_1432 = arith.addi %add3A_1375, %add3A_1431 : i32
      %mul3A_1433 = arith.constant 16384 : i32
      %mul3A_1434 = arith.muli %add3A_1432, %mul3A_1433 : i32
      %add3A_1435 = arith.addi %mul3A_1365, %mul3A_1434 : i32
      %dma_wait3A = tpu.memref_slice %arg5[%add3A_1435] : memref<33554432xf32, #tpu.memory_space<hbm>> -> memref<16384xf32, #tpu.memory_space<hbm>>
      %dma_wait3A_1436 = tpu.memref_slice %arg5[%add3A_1435] : memref<33554432xf32, #tpu.memory_space<hbm>> -> memref<16384xf32, #tpu.memory_space<hbm>>
      tpu.wait_dma2 semaphore(%arg10 : memref<!tpu.dma_semaphore, #tpu.memory_space<semaphore_mem>>) src(%arg9 : memref<16384xf32, #tpu.memory_space<vmem>>) dst(%dma_wait3A_1436 : memref<16384xf32, #tpu.memory_space<hbm>>)
      %add3A_1437 = arith.constant 1 : i32
      %add3A_1438 = arith.addi %add3A_1375, %add3A_1437 : i32
      %mul3A_1439 = arith.constant 16384 : i32
      %mul3A_1440 = arith.muli %add3A_1438, %mul3A_1439 : i32
      %add3A_1441 = arith.addi %mul3A_1365, %mul3A_1440 : i32
      %dma_wait3A_1442 = tpu.memref_slice %arg5[%add3A_1441] : memref<33554432xf32, #tpu.memory_space<hbm>> -> memref<16384xf32, #tpu.memory_space<hbm>>
      %dma_wait3A_1443 = tpu.memref_slice %arg5[%add3A_1441] : memref<33554432xf32, #tpu.memory_space<hbm>> -> memref<16384xf32, #tpu.memory_space<hbm>>
      tpu.wait_dma2 semaphore(%arg10 : memref<!tpu.dma_semaphore, #tpu.memory_space<semaphore_mem>>) src(%arg9 : memref<16384xf32, #tpu.memory_space<vmem>>) dst(%dma_wait3A_1443 : memref<16384xf32, #tpu.memory_space<hbm>>)
      %add3A_1444 = arith.constant 2 : i32
      %add3A_1445 = arith.addi %add3A_1375, %add3A_1444 : i32
      %mul3A_1446 = arith.constant 16384 : i32
      %mul3A_1447 = arith.muli %add3A_1445, %mul3A_1446 : i32
      %add3A_1448 = arith.addi %mul3A_1365, %mul3A_1447 : i32
      %dma_wait3A_1449 = tpu.memref_slice %arg5[%add3A_1448] : memref<33554432xf32, #tpu.memory_space<hbm>> -> memref<16384xf32, #tpu.memory_space<hbm>>
      %dma_wait3A_1450 = tpu.memref_slice %arg5[%add3A_1448] : memref<33554432xf32, #tpu.memory_space<hbm>> -> memref<16384xf32, #tpu.memory_space<hbm>>
      tpu.wait_dma2 semaphore(%arg10 : memref<!tpu.dma_semaphore, #tpu.memory_space<semaphore_mem>>) src(%arg9 : memref<16384xf32, #tpu.memory_space<vmem>>) dst(%dma_wait3A_1450 : memref<16384xf32, #tpu.memory_space<hbm>>)
      %add3A_1451 = arith.constant 3 : i32
      %add3A_1452 = arith.addi %add3A_1375, %add3A_1451 : i32
      %mul3A_1453 = arith.constant 16384 : i32
      %mul3A_1454 = arith.muli %add3A_1452, %mul3A_1453 : i32
      %add3A_1455 = arith.addi %mul3A_1365, %mul3A_1454 : i32
      %dma_wait3A_1456 = tpu.memref_slice %arg5[%add3A_1455] : memref<33554432xf32, #tpu.memory_space<hbm>> -> memref<16384xf32, #tpu.memory_space<hbm>>
      %dma_wait3A_1457 = tpu.memref_slice %arg5[%add3A_1455] : memref<33554432xf32, #tpu.memory_space<hbm>> -> memref<16384xf32, #tpu.memory_space<hbm>>
      tpu.wait_dma2 semaphore(%arg10 : memref<!tpu.dma_semaphore, #tpu.memory_space<semaphore_mem>>) src(%arg9 : memref<16384xf32, #tpu.memory_space<vmem>>) dst(%dma_wait3A_1457 : memref<16384xf32, #tpu.memory_space<hbm>>)
      %add3A_1458 = arith.constant 4 : i32
      %add3A_1459 = arith.addi %add3A_1375, %add3A_1458 : i32
      %mul3A_1460 = arith.constant 16384 : i32
      %mul3A_1461 = arith.muli %add3A_1459, %mul3A_1460 : i32
      %add3A_1462 = arith.addi %mul3A_1365, %mul3A_1461 : i32
      %dma_wait3A_1463 = tpu.memref_slice %arg5[%add3A_1462] : memref<33554432xf32, #tpu.memory_space<hbm>> -> memref<16384xf32, #tpu.memory_space<hbm>>
      %dma_wait3A_1464 = tpu.memref_slice %arg5[%add3A_1462] : memref<33554432xf32, #tpu.memory_space<hbm>> -> memref<16384xf32, #tpu.memory_space<hbm>>
      tpu.wait_dma2 semaphore(%arg10 : memref<!tpu.dma_semaphore, #tpu.memory_space<semaphore_mem>>) src(%arg9 : memref<16384xf32, #tpu.memory_space<vmem>>) dst(%dma_wait3A_1464 : memref<16384xf32, #tpu.memory_space<hbm>>)
      %add3A_1465 = arith.constant 5 : i32
      %add3A_1466 = arith.addi %add3A_1375, %add3A_1465 : i32
      %mul3A_1467 = arith.constant 16384 : i32
      %mul3A_1468 = arith.muli %add3A_1466, %mul3A_1467 : i32
      %add3A_1469 = arith.addi %mul3A_1365, %mul3A_1468 : i32
      %dma_wait3A_1470 = tpu.memref_slice %arg5[%add3A_1469] : memref<33554432xf32, #tpu.memory_space<hbm>> -> memref<16384xf32, #tpu.memory_space<hbm>>
      %dma_wait3A_1471 = tpu.memref_slice %arg5[%add3A_1469] : memref<33554432xf32, #tpu.memory_space<hbm>> -> memref<16384xf32, #tpu.memory_space<hbm>>
      tpu.wait_dma2 semaphore(%arg10 : memref<!tpu.dma_semaphore, #tpu.memory_space<semaphore_mem>>) src(%arg9 : memref<16384xf32, #tpu.memory_space<vmem>>) dst(%dma_wait3A_1471 : memref<16384xf32, #tpu.memory_space<hbm>>)
      %add3A_1472 = arith.constant 6 : i32
      %add3A_1473 = arith.addi %add3A_1375, %add3A_1472 : i32
      %mul3A_1474 = arith.constant 16384 : i32
      %mul3A_1475 = arith.muli %add3A_1473, %mul3A_1474 : i32
      %add3A_1476 = arith.addi %mul3A_1365, %mul3A_1475 : i32
      %dma_wait3A_1477 = tpu.memref_slice %arg5[%add3A_1476] : memref<33554432xf32, #tpu.memory_space<hbm>> -> memref<16384xf32, #tpu.memory_space<hbm>>
      %dma_wait3A_1478 = tpu.memref_slice %arg5[%add3A_1476] : memref<33554432xf32, #tpu.memory_space<hbm>> -> memref<16384xf32, #tpu.memory_space<hbm>>
      tpu.wait_dma2 semaphore(%arg10 : memref<!tpu.dma_semaphore, #tpu.memory_space<semaphore_mem>>) src(%arg9 : memref<16384xf32, #tpu.memory_space<vmem>>) dst(%dma_wait3A_1478 : memref<16384xf32, #tpu.memory_space<hbm>>)
      %add3A_1479 = arith.constant 7 : i32
      %add3A_1480 = arith.addi %add3A_1375, %add3A_1479 : i32
      %mul3A_1481 = arith.constant 16384 : i32
      %mul3A_1482 = arith.muli %add3A_1480, %mul3A_1481 : i32
      %add3A_1483 = arith.addi %mul3A_1365, %mul3A_1482 : i32
      %dma_wait3A_1484 = tpu.memref_slice %arg5[%add3A_1483] : memref<33554432xf32, #tpu.memory_space<hbm>> -> memref<16384xf32, #tpu.memory_space<hbm>>
      %dma_wait3A_1485 = tpu.memref_slice %arg5[%add3A_1483] : memref<33554432xf32, #tpu.memory_space<hbm>> -> memref<16384xf32, #tpu.memory_space<hbm>>
      tpu.wait_dma2 semaphore(%arg10 : memref<!tpu.dma_semaphore, #tpu.memory_space<semaphore_mem>>) src(%arg9 : memref<16384xf32, #tpu.memory_space<vmem>>) dst(%dma_wait3A_1485 : memref<16384xf32, #tpu.memory_space<hbm>>)
    }
    %scan3A_1370 = arith.constant 8 : i32
    return
  }
}

</mosaic_0001>

<sc_bundles>
// kernel: kernel.3.cloned.1.call-start
scs
__scs_entry_jumppad:
0x0: {  	(pc) =	sbr.rel $0x88, $3  }
0x1: {  	(tag) =	ssettag $0x0;
	lr =	simm.s32 $0x1  }
0x2: {  	[smem:$0x3F9E] =	sst lr;
	_ =	strace $0xD0000000  }
0x3: {  	_ = 	snop  }
0x4: {  	_ = 	snop  }
0x5: {  	_ = 	snop  }
0x6: {  	_ = 	snop  }
0x7: {  	_ = 	snop  }
__scs_overlays_trampoline_lowered:
0x8: {  	[smem:$0x3FAD] =	sst s0  }
0x9: {  	[smem:$0x3FAE] =	sst s1  }
0xa: {  	[smem:$0x3FAF] =	sst s2  }
0xb: {  	[smem:$0x3FB0] =	sst s3  }
0xc: {  	[smem:$0x3FB1] =	sst s4  }
0xd: {  	[smem:$0x3FB2] =	sst s5  }
0xe: {  	[smem:$0x3FB3] =	sst s6  }
0xf: {  	[smem:$0x3FB4] =	sst s7  }
0x10: {  	[smem:$0x3FB5] =	sst s8  }
0x11: {  	[smem:$0x3FB6] =	sst s9;
	s0 =	simm.s32 @!p0 $0x0  }
0x12: {  	s1 =	sld [smem:$0x3F9C];
	s0 =	simm.s32 @p0 $0x1  }
0x13: {  	[smem:$0x3FB7] =	sst s0;
	s0 =	simm.s32 @!p1 $0x0  }
0x14: {  	s2 =	sld [smem:$0x3F9B];
	s0 =	simm.s32 @p1 $0x1  }
0x15: {  	[smem:$0x3FB8] =	sst s0;
	s0 =	simm.s32 @!p2 $0x0  }
0x16: {  	s3 =	sld [smem:$0x3FDB];
	s0 =	simm.s32 @p2 $0x1  }
0x17: {  	s4 =	simm.s32 $0x1BF5;
	[smem:$0x3FBA] =	sst s0  }
0x18: {  	s0 =	sld [smem:$0x3F9D];
	_ =	swait.ge [sflag:s4], $0x0  }
0x19: {  	s7 =	sld [smem:$0x3F9E]  }
0x1a: {  	s8 =	sadd.s32 $0xFFFFE003, lr  }
0x1b: {  	s9 =	sadd.s32 $0xFFFFFEF7, lr;
	s5 =	simm.s32 $0xFFFFFFFF;
	p2 =	slt.u32 s8, $0xFFFFF086  }
0x1c: {  	p1 =	slt.u32 s9, $0xF7A;
	s5 =	simm.s32 @!p2 $0x0  }
0x1d: {  	s5 =	simm.s32 @p1 $0x1;
	p0 =	seq.s32 s7, s2  }
0x1e: {  	s7 =	smul.u32 @!p0 $0xF7A, s2;
	p2 =	seq.s32 @!p0 s5, $0x0  }
0x1f: {  	s9 =	smul.u32 $0xF7A, s1;
	s8 =	simm.s32 @!p0 $0x1BF5;
	p2 =	por !p2, p0  }
0x20: {  	[sflag:s8] =	ssyncset.s32 @!p0 $0xFFFFF086;
	s6 =	sadd.s32 @!p0 s3, s7;
	s7 =	simm.s32 @!p0 $0x108  }
0x21: {  	s3 =	sadd.s32 s3, s9;
	s6 =	sadd.s32 @!p0 $0x88, s6;
	s7 =	simm.s32 @p2 $0x1082  }
0x22: {  	[simem:s7], [sflag:s8] =	dma.local @!p0 [hbm:s6], $0xF7A  }
0x23: {  	s9 =	sor.u32 $0xD0000000, s2;
	s6 =	simm.s32 $0x108;
	_ =	swait.ge @!p0 [sflag:s8], $0x0  }
0x24: {  	s3 =	sadd.s32 $0x88, s3;
	s6 =	simm.s32 @!p1 $0x1082;
	[sflag:s4] =	ssyncset.s32 $0xFFFFF086  }
0x25: {  	[simem:s6], [sflag:s4] =	dma.local [hbm:s3], $0xF7A  }
0x26: {  	[smem:$0x3F9E] =	sst s1;
	(tag) =	ssettag s2;
	_ =	strace s9  }
0x27: {  	s1 =	sld [smem:$0x3FAE]  }
0x28: {  	s2 =	sld [smem:$0x3FAF]  }
0x29: {  	s4 =	sld [smem:$0x3FB1]  }
0x2a: {  	p0 =	seq.s32 s5, $0x0;
	s5 =	sld [smem:$0x3FB2]  }
0x2b: {  	s6 =	sld [smem:$0x3FB3]  }
0x2c: {  	s7 =	sld [smem:$0x3FB4]  }
0x2d: {  	s3 =	simm.s32 $0x108;
	s8 =	sld [smem:$0x3FB5]  }
0x2e: {  	s3 =	simm.s32 @!p0 $0x1082;
	s9 =	sld [smem:$0x3FB6]  }
0x2f: {  	lr =	sadd.s32 s0, s3;
	s0 =	sld [smem:$0x3FAD]  }
0x30: {  	s3 =	sld [smem:$0x3FB0]  }
0x31: {  	[smem:$0x3FB9] =	sst s10  }
0x32: {  	s10 =	sld [smem:$0x3FB7];
	_ =	sdelay $0x3  }
0x33: {  	p0 =	seq.s32 s10, $0x1;
	s10 =	sld [smem:$0x3FB9];
	_ =	sdelay $0x3  }
0x34: {  	[smem:$0x3FB9] =	sst s10  }
0x35: {  	s10 =	sld [smem:$0x3FB8];
	_ =	sdelay $0x3  }
0x36: {  	p1 =	seq.s32 s10, $0x1;
	s10 =	sld [smem:$0x3FB9];
	_ =	sdelay $0x3  }
0x37: {  	[smem:$0x3FB9] =	sst s10  }
0x38: {  	s10 =	sld [smem:$0x3FBA]  }
0x39: {  	_ = 	snop;
	(pc) =	sbr.ind lr, $3  }
0x3a: {  	_ = 	snop  }
0x3b: {  	_ = 	snop  }
0x3c: {  	p2 =	seq.s32 s10, $0x1;
	s10 =	sld [smem:$0x3FB9]  }
0x3d: {  	_ =	shalt  }
0x3e: {  	_ =	shalt  }
0x3f: {  	_ =	shalt  }
0x40: {  	_ =	shalt  }
0x41: {  	_ =	shalt  }
0x42: {  	_ =	shalt  }
0x43: {  	_ =	shalt  }
0x44: {  	_ =	shalt  }
0x45: {  	_ =	shalt  }
0x46: {  	_ =	shalt  }
0x47: {  	_ =	shalt  }
0x48: {  	_ =	shalt  }
0x49: {  	_ =	shalt  }
0x4a: {  	_ =	shalt  }
0x4b: {  	_ =	shalt  }
0x4c: {  	_ =	shalt  }
0x4d: {  	_ =	shalt  }
0x4e: {  	_ =	shalt  }
0x4f: {  	_ =	shalt  }
0x50: {  	_ =	shalt  }
0x51: {  	_ =	shalt  }
0x52: {  	_ =	shalt  }
0x53: {  	_ =	shalt  }
0x54: {  	_ =	shalt  }
0x55: {  	_ =	shalt  }
0x56: {  	_ =	shalt  }
0x57: {  	_ =	shalt  }
0x58: {  	_ =	shalt  }
0x59: {  	_ =	shalt  }
0x5a: {  	_ =	shalt  }
0x5b: {  	_ =	shalt  }
0x5c: {  	_ =	shalt  }
0x5d: {  	_ =	shalt  }
0x5e: {  	_ =	shalt  }
0x5f: {  	_ =	shalt  }
0x60: {  	_ =	shalt  }
0x61: {  	_ =	shalt  }
0x62: {  	_ =	shalt  }
0x63: {  	_ =	shalt  }
0x64: {  	_ =	shalt  }
0x65: {  	_ =	shalt  }
0x66: {  	_ =	shalt  }
0x67: {  	_ =	shalt  }
0x68: {  	_ =	shalt  }
0x69: {  	_ =	shalt  }
0x6a: {  	_ =	shalt  }
0x6b: {  	_ =	shalt  }
0x6c: {  	_ =	shalt  }
0x6d: {  	_ =	shalt  }
0x6e: {  	_ =	shalt  }
0x6f: {  	_ =	shalt  }
0x70: {  	_ =	shalt  }
0x71: {  	_ =	shalt  }
0x72: {  	_ =	shalt  }
0x73: {  	_ =	shalt  }
0x74: {  	_ =	shalt  }
0x75: {  	_ =	shalt  }
0x76: {  	_ =	shalt  }
0x77: {  	_ =	shalt  }
0x78: {  	_ =	shalt  }
0x79: {  	_ =	shalt  }
0x7a: {  	_ =	shalt  }
0x7b: {  	_ =	shalt  }
0x7c: {  	_ =	shalt  }
0x7d: {  	_ =	shalt  }
0x7e: {  	_ =	shalt  }
0x7f: {  	_ =	shalt  }
0x80: {  	_ =	shalt  }
0x81: {  	_ =	shalt  }
0x82: {  	_ =	shalt  }
0x83: {  	_ =	shalt  }
0x84: {  	_ =	shalt  }
0x85: {  	_ =	shalt  }
0x86: {  	_ =	shalt  }
0x87: {  	_ =	shalt  }
.Lfunc_end0:
.L_simem_size_0:
called_computation_lowered:
.L_overlay_start_0:
0x88: {  	s2 =	sld [smem:$0x3FD9]  }
0x89: {  	s3 =	sld [smem:$0x3FFE];
	_ =	sdelay $0x1  }
0x8a: {  	s1 =	srdreg.scid  }
0x8b: {  	s0 =	sand.u32 $0x1, s1  }
0x8c: {  	s17 =	sshll.u32 s0, $0xA;
	s2 =	sadd.s32 s3, s2  }
0x8d: {  	s2 =	sadd.s32 s2, s17  }
0x8e: {  	[smem:$0x3FC5] =	sst s2  }
0x8f: {  	_ = 	snop  }
0x90: {  	s2 =	sld [smem:$0x3FC8]  }
0x91: {  	s18 =	sld [smem:$0x3FC7]  }
0x92: {  	s4 =	sld [smem:$0x3FD0];
	(tm) =	ssettm $0x1  }
0x93: {  	s5 =	sld [smem:$0x3FFB];
	_ =	sdelay $0x3  }
0x94: {  	_ =	strace s5  }
0x95: {  	s5 =	sld [smem:$0x3FFC];
	_ =	sdelay $0x3  }
0x96: {  	_ =	strace s5  }
0x97: {  	s5 =	sld [smem:$0x3FFD];
	_ =	sdelay $0x3  }
0x98: {  	_ =	strace s5  }
0x99: {  	_ =	strace $0x8FFFFFFF  }
0x9a: {  	s19 =	sld [smem:$0x3FDB];
	_ =	sdelay $0x1  }
0x9b: {  	s6 =	simm.s32 $_scs_section_size  }
0x9c: {  	s7 =	simm.s32 $_size__tile_overlayer_lowered;
	s8 =	simm.s32 $_tile_overlayer_lowered  }
0x9d: {  	s22 =	simm.s32 $0x1BFF;
	s21 =	sshll.u32 s8, $0x1;
	s5 =	sadd.s32 s6, s19  }
0x9e: {  	s9 =	simm.s32 $0x0;
	s20 =	sshll.u32 s7, $0x1;
	s7 =	sadd.s32 s21, s5  }
0x9f: {  	[timem:s9], [sflag:s22] =	dma.local [hbm:s7], s20  }
0xa0: {  	_ =	swait.ge [sflag:s22], s20  }
0xa1: {  	s6 =	ssub.s32 $0x0, s20;
	[sflag:s22] =	ssyncset.done $0x0  }
0xa2: {  	[sflag:s22] =	ssyncadd.s32 s6;
	_ =	sdelay $0x1  }
0xa3: {  	s23 =	simm.s32 $0x1B8B  }
0xa4: {  	_ =	swait.ge [sflag:s23], $0x1  }
0xa5: {  	[sflag:s23] =	ssyncset.done $0x0  }
0xa6: {  	s25 =	simm.s32 $0x1B8E;
	s24 =	sld [smem:$0x3FFE];
	[sflag:s23] =	ssyncadd.s32 $0xFFFFFFFF  }
0xa7: {  	s26 =	simm.s32 $execute0_lowered;
	[smem:$0x3FD2] =	sst s25  }
0xa8: {  	s7 =	sshll.u32 s26, $0x1;
	_ =	strace $0x80000046;
	[dreg:$0x1] =	wrdreg $0xFFFFFFFF  }
0xa9: {  	s28 =	simm.s32 $_size_execute0_lowered;
	s5 =	sadd.s32 s5, s7;
	[dreg:$0x0] =	wrdreg $0x0  }
0xaa: {  	s7 =	sshll.u32 s28, $0x1;
	[dreg:$0x2] =	wrdreg s5  }
0xab: {  	[dreg:$0x3] =	wrdreg s7  }
0xac: {  	[dreg:$0x4] =	wrdreg $0xC0  }
0xad: {  	_ =	task [dreg:s9], $0x5FFFF  }
0xae: {  	[dreg:$0x1] =	wrdreg $0xFFFFFFFF  }
0xaf: {  	[dreg:$0x0] =	wrdreg $0x60  }
0xb0: {  	[dreg:$0x2] =	wrdreg s4  }
0xb1: {  	[dreg:$0x3] =	wrdreg s2  }
0xb2: {  	[dreg:$0x4] =	wrdreg s18  }
0xb3: {  	[dreg:$0x5] =	wrdreg s24  }
0xb4: {  	[dreg:$0x6] =	wrdreg $0x9  }
0xb5: {  	_ =	task.clear_ibuf [dreg:s9], $0x7FFFF;
	_ =	strace $0x90000046  }
0xb6: {  	s29 =	simm.s32 $0x9;
	_ =	strace $0x80000048  }
0xb7: {  	_ =	swait.ge [sflag:s29], $0x1  }
0xb8: {  	[sflag:s29] =	ssyncadd.s32 $0xFFFFFFFF  }
0xb9: {  	_ =	strace $0x90000048  }
0xba: {  	_ =	sfence  }
0xbb: {  	s30 =	sld [smem:$0x0];
	_ =	sdelay $0x2  }
0xbc: {  	s31 =	sshll.u32 s1, $0xD;
	s1 =	sshrl.u32 s1, $0x2  }
0xbd: {  	s3 =	sand.u32 $0x4000, s31;
	s1 =	sadd.s32 s1, s30  }
0xbe: {  	s0 =	sor.u32 s3, s0;
	s1 =	sshll.u32 s1, $0x11  }
0xbf: {  	s0 =	sor.u32 s1, s0  }
0xc0: {  	s0 =	sadd.s32 $0x8F2B, s0  }
0xc1: {  	[sflag:s0] =	ssyncadd.remote.s32 $0x1  }
0xc2: {  	_ =	sfence.sel $0xFFFF  }
0xc3: {  	[dreg:$0x0] =	wrdreg $0xFFFFFFFF;
	(pc) =	sbr.abs _section_cstart, $3  }
0xc4: {  	[dreg:$0x1] =	wrdreg $0xFFFFFFFF  }
0xc5: {  	_ =	task.clear_ibuf [dreg:s9], $0x2FFFF;
	_ =	strace $0x9FFFFFFF  }
0xc6: {  	(tm) =	ssettm $0x7FFFFFFF  }
0xc7: {  	_ =	shalt  }
tec
execute0_lowered:
.L_overlay_start_1:
0x0: {  	(tag) =	ssettag $0x1  }
0x1: {  	s0 =	rddreg [dreg:$0x0]  }
0x2: {  	s2 =	rddreg [dreg:$0x2]  }
0x3: {  	s3 =	rddreg [dreg:$0x3]  }
0x4: {  	s5 =	srdreg.scid;
	s4 =	simm.s32 $0x0;
	s1 =	stileid.u32  }
0x5: {  	s10 =	simm.s32 $0x400;
	s11 =	simm.s32 $0x410;
	s12 =	simm.s32 $0x420  }
0x6: {  	s13 =	simm.s32 $0x430;
	s14 =	simm.s32 $0x440;
	s15 =	simm.s32 $0x450  }
0x7: {  	s16 =	simm.s32 $0x460;
	s17 =	simm.s32 $0x470;
	s18 =	simm.s32 $0x480  }
0x8: {  	s19 =	simm.s32 $0x490;
	s20 =	simm.s32 $0x4A0;
	s21 =	simm.s32 $0x4B0  }
0x9: {  	s22 =	simm.s32 $0x4C0;
	s23 =	simm.s32 $0x4D0;
	s24 =	simm.s32 $0x4E0  }
0xa: {  	s25 =	simm.s32 $0x4F0;
	s28 =	simm.s32 $0x600;
	s29 =	simm.s32 $0x1  }
0xb: {  	s30 =	simm.s32 $0x0;
	s5 =	sand.u32 $0x1, s5;
	[smem:$0x7FF] =	sst s4  }
0xc: {  	s6 =	sshll.u32 s1, $0x15;
	s8 =	sshll.u32 s1, $0x8;
	p0 =	slt.u32 s1, $0x8  }
0xd: {  	s7 =	sshll.u32 s5, $0x14;
	_ =	strace $0x80000047;
	s26 =	ssub.s32 $0x2, s5  }
0xe: {  	s5 =	sshll.u32 s5, $0x7;
	s11 =	simm.s32 @!p0 $0x510;
	s12 =	simm.s32 @!p0 $0x520  }
0xf: {  	s13 =	simm.s32 @!p0 $0x530;
	s14 =	simm.s32 @!p0 $0x540;
	s15 =	simm.s32 @!p0 $0x550  }
0x10: {  	s16 =	simm.s32 @!p0 $0x560;
	s17 =	simm.s32 @!p0 $0x570;
	s18 =	simm.s32 @!p0 $0x580  }
0x11: {  	s19 =	simm.s32 @!p0 $0x590;
	s20 =	simm.s32 @!p0 $0x5A0;
	s21 =	simm.s32 @!p0 $0x5B0  }
0x12: {  	s22 =	simm.s32 @!p0 $0x5C0;
	s23 =	simm.s32 @!p0 $0x5D0;
	s24 =	simm.s32 @!p0 $0x5E0  }
0x13: {  	s25 =	simm.s32 @!p0 $0x5F0;
	s6 =	sor.u32 s7, s6;
	s9 =	sshrl.u32 s26, $0x1  }
0x14: {  	s5 =	sor.u32 s5, s8;
	s8 =	simm.s32 $0x2;
	s6 =	sshrl.u32 s6, $0x3  }
0x15: {  	s31 =	ssub.s32 s26, s9;
	s5 =	sand.u32 $0x780, s5;
	s9 =	simm.s32 $0x400  }
0x16: {  	s26 =	simm.s32 $0x500;
	s3 =	sadd.s32 s6, s3;
	s5 =	sadd.s32 s0, s5  }
0x17: {  	s6 =	smax.u32 s31, $0x1;
	s9 =	simm.s32 @!p0 $0x500;
	s7 =	sadd.s32 $0x400, s3  }
.LBB2_1:
0x18: {  	[tilespmem:s4], [sflag:$0x2] =	stream.linear.gather [hbm4b:s5+s4], $0x400, $0x38;
	[tilespmem:$0x4600] =	vst v63  }
0x19: {  	_ =	swait.ge [sflag:s8], $0x400  }
0x1a: {  	[sflag:s8] =	ssyncset.done $0x0  }
0x1b: {  	[sflag:s8] =	ssyncadd.s32 $0xFFFFFC00  }
0x1c: {  	s0 =	rddreg [dreg:$0x1]  }
0x1d: {  	[tilespmem:s10], [sflag:$0x2] =	stream.linear.gather [hbm4b:s0+s4], $0x100, $0x38;
	[tilespmem:$0x4600] =	vst v63  }
0x1e: {  	_ =	swait.ge [sflag:s8], $0x100  }
0x1f: {  	[sflag:s8] =	ssyncset.done $0x0  }
0x20: {  	[sflag:s8] =	ssyncadd.s32 $0xFFFFFF00  }
0x21: {  	[tilespmem:s26], [sflag:$0x2] =	stream.linear.gather [hbm4b:s2+s4], $0x100, $0x38;
	[tilespmem:$0x4600] =	vst v63  }
0x22: {  	_ =	swait.ge [sflag:s8], $0x100  }
0x23: {  	[sflag:s8] =	ssyncset.done $0x0  }
0x24: {  	[sflag:s8] =	ssyncadd.s32 $0xFFFFFF00  }
0x25: {  	v0 =	vld [tilespmem:s9+$0x0]  }
0x26: {  	v1 =	vld [tilespmem:$0x0]  }
0x27: {  	v2 =	vld [tilespmem:$0x80]  }
0x28: {  	v3 =	vld [tilespmem:$0x100]  }
0x29: {  	v4 =	vld [tilespmem:$0x180]  }
0x2a: {  	v5 =	vld [tilespmem:$0x200];
	vm0 =	veq.s32 v0, $0x0  }
0x2b: {  	v6 =	vld [tilespmem:$0x280];
	vm9 =	veq.s32 v0, $0x1;
	v1 =	vnsel vm0, $0x0, v1  }
0x2c: {  	vm10 =	veq.s32 v0, $0x2;
	v1 =	vsel vm9, v2, v1;
	v2 =	vld [tilespmem:$0x300]  }
0x2d: {  	vm11 =	veq.s32 v0, $0x3;
	v1 =	vsel vm10, v3, v1;
	v3 =	vld [tilespmem:$0x380]  }
0x2e: {  	vm12 =	veq.s32 v0, $0x4;
	v1 =	vsel vm11, v4, v1  }
0x2f: {  	vm13 =	veq.s32 v0, $0x5;
	v1 =	vsel vm12, v5, v1  }
0x30: {  	vm14 =	veq.s32 v0, $0x6;
	v1 =	vsel vm13, v6, v1  }
0x31: {  	vm15 =	veq.s32 v0, $0x7;
	v1 =	vsel vm14, v2, v1  }
0x32: {  	v0 =	vsel vm15, v3, v1  }
0x33: {  	[tilespmem:$0x600] =	vst v0  }
0x34: {  	v0 =	vld [tilespmem:s11+$0x0]  }
0x35: {  	v1 =	vld [tilespmem:$0x0]  }
0x36: {  	v2 =	vld [tilespmem:$0x80]  }
0x37: {  	v3 =	vld [tilespmem:$0x100]  }
0x38: {  	v4 =	vld [tilespmem:$0x180]  }
0x39: {  	v5 =	vld [tilespmem:$0x200];
	vm4 =	veq.s32 v0, $0x0  }
0x3a: {  	v6 =	vld [tilespmem:$0x280];
	vm5 =	veq.s32 v0, $0x1;
	v1 =	vnsel vm4, $0x0, v1  }
0x3b: {  	vm6 =	veq.s32 v0, $0x2;
	v1 =	vsel vm5, v2, v1;
	v2 =	vld [tilespmem:$0x300]  }
0x3c: {  	vm7 =	veq.s32 v0, $0x3;
	v1 =	vsel vm6, v3, v1;
	v3 =	vld [tilespmem:$0x380]  }
0x3d: {  	vm8 =	veq.s32 v0, $0x4;
	v1 =	vsel vm7, v4, v1  }
0x3e: {  	vm9 =	veq.s32 v0, $0x5;
	v1 =	vsel vm8, v5, v1  }
0x3f: {  	vm10 =	veq.s32 v0, $0x6;
	v1 =	vsel vm9, v6, v1  }
0x40: {  	vm11 =	veq.s32 v0, $0x7;
	v1 =	vsel vm10, v2, v1  }
0x41: {  	v0 =	vsel vm11, v3, v1  }
0x42: {  	[tilespmem:$0x610] =	vst v0  }
0x43: {  	v0 =	vld [tilespmem:s12+$0x0]  }
0x44: {  	v1 =	vld [tilespmem:$0x0]  }
0x45: {  	v2 =	vld [tilespmem:$0x80]  }
0x46: {  	v3 =	vld [tilespmem:$0x100]  }
0x47: {  	v4 =	vld [tilespmem:$0x180]  }
0x48: {  	v5 =	vld [tilespmem:$0x200];
	vm12 =	veq.s32 v0, $0x0  }
0x49: {  	v6 =	vld [tilespmem:$0x280];
	vm13 =	veq.s32 v0, $0x1;
	v1 =	vnsel vm12, $0x0, v1  }
0x4a: {  	vm14 =	veq.s32 v0, $0x2;
	v1 =	vsel vm13, v2, v1;
	v2 =	vld [tilespmem:$0x300]  }
0x4b: {  	vm15 =	veq.s32 v0, $0x3;
	v1 =	vsel vm14, v3, v1;
	v3 =	vld [tilespmem:$0x380]  }
0x4c: {  	vm4 =	veq.s32 v0, $0x4;
	v1 =	vsel vm15, v4, v1  }
0x4d: {  	vm5 =	veq.s32 v0, $0x5;
	v1 =	vsel vm4, v5, v1  }
0x4e: {  	vm6 =	veq.s32 v0, $0x6;
	v1 =	vsel vm5, v6, v1  }
0x4f: {  	vm7 =	veq.s32 v0, $0x7;
	v1 =	vsel vm6, v2, v1  }
0x50: {  	v0 =	vsel vm7, v3, v1  }
0x51: {  	[tilespmem:$0x620] =	vst v0  }
0x52: {  	v0 =	vld [tilespmem:s13+$0x0]  }
0x53: {  	v1 =	vld [tilespmem:$0x0]  }
0x54: {  	v2 =	vld [tilespmem:$0x80]  }
0x55: {  	v3 =	vld [tilespmem:$0x100]  }
0x56: {  	v4 =	vld [tilespmem:$0x180]  }
0x57: {  	v5 =	vld [tilespmem:$0x200];
	vm8 =	veq.s32 v0, $0x0  }
0x58: {  	v6 =	vld [tilespmem:$0x280];
	vm9 =	veq.s32 v0, $0x1;
	v1 =	vnsel vm8, $0x0, v1  }
0x59: {  	vm10 =	veq.s32 v0, $0x2;
	v1 =	vsel vm9, v2, v1;
	v2 =	vld [tilespmem:$0x300]  }
0x5a: {  	vm11 =	veq.s32 v0, $0x3;
	v1 =	vsel vm10, v3, v1;
	v3 =	vld [tilespmem:$0x380]  }
0x5b: {  	vm12 =	veq.s32 v0, $0x4;
	v1 =	vsel vm11, v4, v1  }
0x5c: {  	vm13 =	veq.s32 v0, $0x5;
	v1 =	vsel vm12, v5, v1  }
0x5d: {  	vm14 =	veq.s32 v0, $0x6;
	v1 =	vsel vm13, v6, v1  }
0x5e: {  	vm15 =	veq.s32 v0, $0x7;
	v1 =	vsel vm14, v2, v1  }
0x5f: {  	v0 =	vsel vm15, v3, v1  }
0x60: {  	[tilespmem:$0x630] =	vst v0  }
0x61: {  	v0 =	vld [tilespmem:s14+$0x0]  }
0x62: {  	v1 =	vld [tilespmem:$0x0]  }
0x63: {  	v2 =	vld [tilespmem:$0x80]  }
0x64: {  	v3 =	vld [tilespmem:$0x100]  }
0x65: {  	v4 =	vld [tilespmem:$0x180]  }
0x66: {  	v5 =	vld [tilespmem:$0x200];
	vm4 =	veq.s32 v0, $0x0  }
0x67: {  	v6 =	vld [tilespmem:$0x280];
	vm5 =	veq.s32 v0, $0x1;
	v1 =	vnsel vm4, $0x0, v1  }
0x68: {  	vm6 =	veq.s32 v0, $0x2;
	v1 =	vsel vm5, v2, v1;
	v2 =	vld [tilespmem:$0x300]  }
0x69: {  	vm7 =	veq.s32 v0, $0x3;
	v1 =	vsel vm6, v3, v1;
	v3 =	vld [tilespmem:$0x380]  }
0x6a: {  	vm8 =	veq.s32 v0, $0x4;
	v1 =	vsel vm7, v4, v1  }
0x6b: {  	vm9 =	veq.s32 v0, $0x5;
	v1 =	vsel vm8, v5, v1  }
0x6c: {  	vm10 =	veq.s32 v0, $0x6;
	v1 =	vsel vm9, v6, v1  }
0x6d: {  	vm11 =	veq.s32 v0, $0x7;
	v1 =	vsel vm10, v2, v1  }
0x6e: {  	v0 =	vsel vm11, v3, v1  }
0x6f: {  	[tilespmem:$0x640] =	vst v0  }
0x70: {  	v0 =	vld [tilespmem:s15+$0x0]  }
0x71: {  	v1 =	vld [tilespmem:$0x0]  }
0x72: {  	v2 =	vld [tilespmem:$0x80]  }
0x73: {  	v3 =	vld [tilespmem:$0x100]  }
0x74: {  	v4 =	vld [tilespmem:$0x180]  }
0x75: {  	v5 =	vld [tilespmem:$0x200];
	vm12 =	veq.s32 v0, $0x0  }
0x76: {  	v6 =	vld [tilespmem:$0x280];
	vm13 =	veq.s32 v0, $0x1;
	v1 =	vnsel vm12, $0x0, v1  }
0x77: {  	vm14 =	veq.s32 v0, $0x2;
	v1 =	vsel vm13, v2, v1;
	v2 =	vld [tilespmem:$0x300]  }
0x78: {  	vm15 =	veq.s32 v0, $0x3;
	v1 =	vsel vm14, v3, v1;
	v3 =	vld [tilespmem:$0x380]  }
0x79: {  	vm4 =	veq.s32 v0, $0x4;
	v1 =	vsel vm15, v4, v1  }
0x7a: {  	vm5 =	veq.s32 v0, $0x5;
	v1 =	vsel vm4, v5, v1  }
0x7b: {  	vm6 =	veq.s32 v0, $0x6;
	v1 =	vsel vm5, v6, v1  }
0x7c: {  	vm7 =	veq.s32 v0, $0x7;
	v1 =	vsel vm6, v2, v1  }
0x7d: {  	v0 =	vsel vm7, v3, v1  }
0x7e: {  	[tilespmem:$0x650] =	vst v0  }
0x7f: {  	v0 =	vld [tilespmem:s16+$0x0]  }
0x80: {  	v1 =	vld [tilespmem:$0x0]  }
0x81: {  	v2 =	vld [tilespmem:$0x80]  }
0x82: {  	v3 =	vld [tilespmem:$0x100]  }
0x83: {  	v4 =	vld [tilespmem:$0x180]  }
0x84: {  	v5 =	vld [tilespmem:$0x200];
	vm8 =	veq.s32 v0, $0x0  }
0x85: {  	v6 =	vld [tilespmem:$0x280];
	vm9 =	veq.s32 v0, $0x1;
	v1 =	vnsel vm8, $0x0, v1  }
0x86: {  	vm10 =	veq.s32 v0, $0x2;
	v1 =	vsel vm9, v2, v1;
	v2 =	vld [tilespmem:$0x300]  }
0x87: {  	vm11 =	veq.s32 v0, $0x3;
	v1 =	vsel vm10, v3, v1;
	v3 =	vld [tilespmem:$0x380]  }
0x88: {  	vm12 =	veq.s32 v0, $0x4;
	v1 =	vsel vm11, v4, v1  }
0x89: {  	vm13 =	veq.s32 v0, $0x5;
	v1 =	vsel vm12, v5, v1  }
0x8a: {  	vm14 =	veq.s32 v0, $0x6;
	v1 =	vsel vm13, v6, v1  }
0x8b: {  	vm15 =	veq.s32 v0, $0x7;
	v1 =	vsel vm14, v2, v1  }
0x8c: {  	v0 =	vsel vm15, v3, v1  }
0x8d: {  	[tilespmem:$0x660] =	vst v0  }
0x8e: {  	v0 =	vld [tilespmem:s17+$0x0]  }
0x8f: {  	v1 =	vld [tilespmem:$0x0]  }
0x90: {  	v2 =	vld [tilespmem:$0x80]  }
0x91: {  	v3 =	vld [tilespmem:$0x100]  }
0x92: {  	v4 =	vld [tilespmem:$0x180]  }
0x93: {  	v5 =	vld [tilespmem:$0x200];
	vm4 =	veq.s32 v0, $0x0  }
0x94: {  	v6 =	vld [tilespmem:$0x280];
	vm5 =	veq.s32 v0, $0x1;
	v1 =	vnsel vm4, $0x0, v1  }
0x95: {  	vm6 =	veq.s32 v0, $0x2;
	v1 =	vsel vm5, v2, v1;
	v2 =	vld [tilespmem:$0x300]  }
0x96: {  	vm7 =	veq.s32 v0, $0x3;
	v1 =	vsel vm6, v3, v1;
	v3 =	vld [tilespmem:$0x380]  }
0x97: {  	vm8 =	veq.s32 v0, $0x4;
	v1 =	vsel vm7, v4, v1  }
0x98: {  	vm9 =	veq.s32 v0, $0x5;
	v1 =	vsel vm8, v5, v1  }
0x99: {  	vm10 =	veq.s32 v0, $0x6;
	v1 =	vsel vm9, v6, v1  }
0x9a: {  	vm11 =	veq.s32 v0, $0x7;
	v1 =	vsel vm10, v2, v1  }
0x9b: {  	v0 =	vsel vm11, v3, v1  }
0x9c: {  	[tilespmem:$0x670] =	vst v0  }
0x9d: {  	v0 =	vld [tilespmem:s18+$0x0]  }
0x9e: {  	v1 =	vld [tilespmem:$0x0]  }
0x9f: {  	v2 =	vld [tilespmem:$0x80]  }
0xa0: {  	v3 =	vld [tilespmem:$0x100]  }
0xa1: {  	v4 =	vld [tilespmem:$0x180]  }
0xa2: {  	v5 =	vld [tilespmem:$0x200];
	vm12 =	veq.s32 v0, $0x0  }
0xa3: {  	v6 =	vld [tilespmem:$0x280];
	vm13 =	veq.s32 v0, $0x1;
	v1 =	vnsel vm12, $0x0, v1  }
0xa4: {  	vm14 =	veq.s32 v0, $0x2;
	v1 =	vsel vm13, v2, v1;
	v2 =	vld [tilespmem:$0x300]  }
0xa5: {  	vm15 =	veq.s32 v0, $0x3;
	v1 =	vsel vm14, v3, v1;
	v3 =	vld [tilespmem:$0x380]  }
0xa6: {  	vm4 =	veq.s32 v0, $0x4;
	v1 =	vsel vm15, v4, v1  }
0xa7: {  	vm5 =	veq.s32 v0, $0x5;
	v1 =	vsel vm4, v5, v1  }
0xa8: {  	vm6 =	veq.s32 v0, $0x6;
	v1 =	vsel vm5, v6, v1  }
0xa9: {  	vm7 =	veq.s32 v0, $0x7;
	v1 =	vsel vm6, v2, v1  }
0xaa: {  	v0 =	vsel vm7, v3, v1  }
0xab: {  	[tilespmem:$0x680] =	vst v0  }
0xac: {  	v0 =	vld [tilespmem:s19+$0x0]  }
0xad: {  	v1 =	vld [tilespmem:$0x0]  }
0xae: {  	v2 =	vld [tilespmem:$0x80]  }
0xaf: {  	v3 =	vld [tilespmem:$0x100]  }
0xb0: {  	v4 =	vld [tilespmem:$0x180]  }
0xb1: {  	v5 =	vld [tilespmem:$0x200];
	vm8 =	veq.s32 v0, $0x0  }
0xb2: {  	v6 =	vld [tilespmem:$0x280];
	vm9 =	veq.s32 v0, $0x1;
	v1 =	vnsel vm8, $0x0, v1  }
0xb3: {  	vm10 =	veq.s32 v0, $0x2;
	v1 =	vsel vm9, v2, v1;
	v2 =	vld [tilespmem:$0x300]  }
0xb4: {  	vm11 =	veq.s32 v0, $0x3;
	v1 =	vsel vm10, v3, v1;
	v3 =	vld [tilespmem:$0x380]  }
0xb5: {  	vm12 =	veq.s32 v0, $0x4;
	v1 =	vsel vm11, v4, v1  }
0xb6: {  	vm13 =	veq.s32 v0, $0x5;
	v1 =	vsel vm12, v5, v1  }
0xb7: {  	vm14 =	veq.s32 v0, $0x6;
	v1 =	vsel vm13, v6, v1  }
0xb8: {  	vm15 =	veq.s32 v0, $0x7;
	v1 =	vsel vm14, v2, v1  }
0xb9: {  	v0 =	vsel vm15, v3, v1  }
0xba: {  	[tilespmem:$0x690] =	vst v0  }
0xbb: {  	v0 =	vld [tilespmem:s20+$0x0]  }
0xbc: {  	v1 =	vld [tilespmem:$0x0]  }
0xbd: {  	v2 =	vld [tilespmem:$0x80]  }
0xbe: {  	v3 =	vld [tilespmem:$0x100]  }
0xbf: {  	v4 =	vld [tilespmem:$0x180]  }
0xc0: {  	v5 =	vld [tilespmem:$0x200];
	vm4 =	veq.s32 v0, $0x0  }
0xc1: {  	v6 =	vld [tilespmem:$0x280];
	vm5 =	veq.s32 v0, $0x1;
	v1 =	vnsel vm4, $0x0, v1  }
0xc2: {  	vm6 =	veq.s32 v0, $0x2;
	v1 =	vsel vm5, v2, v1;
	v2 =	vld [tilespmem:$0x300]  }
0xc3: {  	vm7 =	veq.s32 v0, $0x3;
	v1 =	vsel vm6, v3, v1;
	v3 =	vld [tilespmem:$0x380]  }
0xc4: {  	vm8 =	veq.s32 v0, $0x4;
	v1 =	vsel vm7, v4, v1  }
0xc5: {  	vm9 =	veq.s32 v0, $0x5;
	v1 =	vsel vm8, v5, v1  }
0xc6: {  	vm10 =	veq.s32 v0, $0x6;
	v1 =	vsel vm9, v6, v1  }
0xc7: {  	vm11 =	veq.s32 v0, $0x7;
	v1 =	vsel vm10, v2, v1  }
0xc8: {  	v0 =	vsel vm11, v3, v1  }
0xc9: {  	[tilespmem:$0x6A0] =	vst v0  }
0xca: {  	v0 =	vld [tilespmem:s21+$0x0]  }
0xcb: {  	v1 =	vld [tilespmem:$0x0]  }
0xcc: {  	v2 =	vld [tilespmem:$0x80]  }
0xcd: {  	v3 =	vld [tilespmem:$0x100]  }
0xce: {  	v4 =	vld [tilespmem:$0x180]  }
0xcf: {  	v5 =	vld [tilespmem:$0x200];
	vm12 =	veq.s32 v0, $0x0  }
0xd0: {  	v6 =	vld [tilespmem:$0x280];
	vm13 =	veq.s32 v0, $0x1;
	v1 =	vnsel vm12, $0x0, v1  }
0xd1: {  	vm14 =	veq.s32 v0, $0x2;
	v1 =	vsel vm13, v2, v1;
	v2 =	vld [tilespmem:$0x300]  }
0xd2: {  	vm15 =	veq.s32 v0, $0x3;
	v1 =	vsel vm14, v3, v1;
	v3 =	vld [tilespmem:$0x380]  }
0xd3: {  	vm4 =	veq.s32 v0, $0x4;
	v1 =	vsel vm15, v4, v1  }
0xd4: {  	vm5 =	veq.s32 v0, $0x5;
	v1 =	vsel vm4, v5, v1  }
0xd5: {  	vm6 =	veq.s32 v0, $0x6;
	v1 =	vsel vm5, v6, v1  }
0xd6: {  	vm7 =	veq.s32 v0, $0x7;
	v1 =	vsel vm6, v2, v1  }
0xd7: {  	v0 =	vsel vm7, v3, v1  }
0xd8: {  	[tilespmem:$0x6B0] =	vst v0  }
0xd9: {  	v0 =	vld [tilespmem:s22+$0x0]  }
0xda: {  	v1 =	vld [tilespmem:$0x0]  }
0xdb: {  	v2 =	vld [tilespmem:$0x80]  }
0xdc: {  	v3 =	vld [tilespmem:$0x100]  }
0xdd: {  	v4 =	vld [tilespmem:$0x180]  }
0xde: {  	v5 =	vld [tilespmem:$0x200];
	vm8 =	veq.s32 v0, $0x0  }
0xdf: {  	v6 =	vld [tilespmem:$0x280];
	vm9 =	veq.s32 v0, $0x1;
	v1 =	vnsel vm8, $0x0, v1  }
0xe0: {  	vm10 =	veq.s32 v0, $0x2;
	v1 =	vsel vm9, v2, v1;
	v2 =	vld [tilespmem:$0x300]  }
0xe1: {  	vm11 =	veq.s32 v0, $0x3;
	v1 =	vsel vm10, v3, v1;
	v3 =	vld [tilespmem:$0x380]  }
0xe2: {  	vm12 =	veq.s32 v0, $0x4;
	v1 =	vsel vm11, v4, v1  }
0xe3: {  	vm13 =	veq.s32 v0, $0x5;
	v1 =	vsel vm12, v5, v1  }
0xe4: {  	vm14 =	veq.s32 v0, $0x6;
	v1 =	vsel vm13, v6, v1  }
0xe5: {  	vm15 =	veq.s32 v0, $0x7;
	v1 =	vsel vm14, v2, v1  }
0xe6: {  	v0 =	vsel vm15, v3, v1  }
0xe7: {  	[tilespmem:$0x6C0] =	vst v0  }
0xe8: {  	v1 =	vld [tilespmem:s23+$0x0]  }
0xe9: {  	v2 =	vld [tilespmem:$0x0]  }
0xea: {  	v3 =	vld [tilespmem:$0x80]  }
0xeb: {  	v4 =	vld [tilespmem:$0x100]  }
0xec: {  	v5 =	vld [tilespmem:$0x180]  }
0xed: {  	v6 =	vld [tilespmem:$0x200];
	vm4 =	veq.s32 v1, $0x0  }
0xee: {  	v7 =	vld [tilespmem:$0x280];
	vm5 =	veq.s32 v1, $0x1;
	v2 =	vnsel vm4, $0x0, v2  }
0xef: {  	vm6 =	veq.s32 v1, $0x2;
	v2 =	vsel vm5, v3, v2;
	v3 =	vld [tilespmem:$0x300]  }
0xf0: {  	vm7 =	veq.s32 v1, $0x3;
	v2 =	vsel vm6, v4, v2;
	v4 =	vld [tilespmem:$0x380]  }
0xf1: {  	vm8 =	veq.s32 v1, $0x4;
	v2 =	vsel vm7, v5, v2  }
0xf2: {  	vm9 =	veq.s32 v1, $0x5;
	v2 =	vsel vm8, v6, v2  }
0xf3: {  	vm10 =	veq.s32 v1, $0x6;
	v2 =	vsel vm9, v7, v2  }
0xf4: {  	vm11 =	veq.s32 v1, $0x7;
	v2 =	vsel vm10, v3, v2  }
0xf5: {  	v1 =	vsel vm11, v4, v2  }
0xf6: {  	[tilespmem:$0x6D0] =	vst v1  }
0xf7: {  	v2 =	vld [tilespmem:s24+$0x0]  }
0xf8: {  	v3 =	vld [tilespmem:$0x0]  }
0xf9: {  	v4 =	vld [tilespmem:$0x80]  }
0xfa: {  	v5 =	vld [tilespmem:$0x100]  }
0xfb: {  	v6 =	vld [tilespmem:$0x180]  }
0xfc: {  	v7 =	vld [tilespmem:$0x200];
	vm12 =	veq.s32 v2, $0x0  }
0xfd: {  	v8 =	vld [tilespmem:$0x280];
	vm13 =	veq.s32 v2, $0x1;
	v3 =	vnsel vm12, $0x0, v3  }
0xfe: {  	vm14 =	veq.s32 v2, $0x2;
	v3 =	vsel vm13, v4, v3;
	v4 =	vld [tilespmem:$0x300]  }
0xff: {  	vm15 =	veq.s32 v2, $0x3;
	v3 =	vsel vm14, v5, v3;
	v5 =	vld [tilespmem:$0x380]  }
0x100: {  	vm4 =	veq.s32 v2, $0x4;
	v3 =	vsel vm15, v6, v3  }
0x101: {  	v9 =	vld [tilespmem:$0x180];
	vm5 =	veq.s32 v2, $0x5;
	v3 =	vsel vm4, v7, v3  }
0x102: {  	v10 =	vld [tilespmem:$0x200];
	vm6 =	veq.s32 v2, $0x6;
	v3 =	vsel vm5, v8, v3  }
0x103: {  	v11 =	vld [tilespmem:$0x280];
	vm7 =	veq.s32 v2, $0x7;
	v3 =	vsel vm6, v4, v3  }
0x104: {  	v13 =	vld [tilespmem:$0x300];
	v2 =	vsel vm7, v5, v3  }
0x105: {  	v14 =	vld [tilespmem:$0x380];
	[tilespmem:$0x6E0] =	vst v2  }
0x106: {  	v12 =	vld [tilespmem:s25+$0x0]  }
0x107: {  	v6 =	vld [tilespmem:$0x0]  }
0x108: {  	v7 =	vld [tilespmem:$0x80]  }
0x109: {  	v8 =	vld [tilespmem:$0x100]  }
0x10a: {  	v4 =	vld [tilespmem:$0x610]  }
0x10b: {  	v3 =	vld [tilespmem:$0x600];
	vm8 =	veq.s32 v12, $0x0;
	vm9 =	veq.s32 v12, $0x1;
	vm10 =	veq.s32 v12, $0x2  }
0x10c: {  	v5 =	vld [tilespmem:$0x620];
	vm11 =	veq.s32 v12, $0x3;
	vm12 =	veq.s32 v12, $0x4;
	vm13 =	veq.s32 v12, $0x5  }
0x10d: {  	vm14 =	veq.s32 v12, $0x6;
	vm15 =	veq.s32 v12, $0x7;
	v12 =	vld [tilespmem:$0x690];
	v15 =	vnsel vm8, $0x0, v6  }
0x10e: {  	v6 =	vld [tilespmem:$0x630];
	v15 =	vsel vm9, v7, v15  }
0x10f: {  	v7 =	vld [tilespmem:$0x640];
	v15 =	vsel vm10, v8, v15  }
0x110: {  	v8 =	vld [tilespmem:$0x650];
	v15 =	vsel vm11, v9, v15  }
0x111: {  	v9 =	vld [tilespmem:$0x660];
	v15 =	vsel vm12, v10, v15  }
0x112: {  	v10 =	vld [tilespmem:$0x670];
	v15 =	vsel vm13, v11, v15  }
0x113: {  	v11 =	vld [tilespmem:$0x680];
	v13 =	vsel vm14, v13, v15  }
0x114: {  	v15 =	vsel vm15, v14, v13;
	v13 =	vld [tilespmem:$0x6A0]  }
0x115: {  	s31 =	simm.s32 $0x400;
	s0 =	simm.s32 $0x0;
	v14 =	vld [tilespmem:$0x6B0];
	[tilespmem:$0x6F0] =	vst v15  }
.LBB2_2:
0x116: {  	p0 =	sne.s32 s31, $0xF800;
	[tilespmem:s0+$0x7F0] =	vst v15  }
0x117: {  	[tilespmem:s0+$0x700] =	vst v3  }
0x118: {  	[tilespmem:s0+$0x710] =	vst v4  }
0x119: {  	[tilespmem:s0+$0x720] =	vst v5  }
0x11a: {  	[tilespmem:s0+$0x730] =	vst v6  }
0x11b: {  	[tilespmem:s0+$0x740] =	vst v7  }
0x11c: {  	[tilespmem:s0+$0x750] =	vst v8  }
0x11d: {  	[tilespmem:s0+$0x760] =	vst v9  }
0x11e: {  	[tilespmem:s0+$0x770] =	vst v10  }
0x11f: {  	[tilespmem:s0+$0x780] =	vst v11  }
0x120: {  	[tilespmem:s0+$0x790] =	vst v12  }
.Ltmp0:
0x121: {  	[tilespmem:s0+$0x7A0] =	vst v13;
	(pc) =	sbr.rel @p0 .LBB2_2-.Ltmp0, $4  }
0x122: {  	[tilespmem:s0+$0x7B0] =	vst v14  }
0x123: {  	[tilespmem:s0+$0x7C0] =	vst v0  }
0x124: {  	[tilespmem:s0+$0x7D0] =	vst v1  }
0x125: {  	[tilespmem:s0+$0x7E0] =	vst v2;
	s0 =	sshra.s32 s31, $0x2;
	s31 =	sadd.s32 $0x400, s31  }
0x126: {  	[tilespmem:s0+$0x7F0] =	vst v15  }
0x127: {  	[tilespmem:s0+$0x700] =	vst v3  }
0x128: {  	[tilespmem:s0+$0x710] =	vst v4  }
0x129: {  	[tilespmem:s0+$0x720] =	vst v5  }
0x12a: {  	[tilespmem:s0+$0x730] =	vst v6  }
0x12b: {  	[tilespmem:s0+$0x740] =	vst v7  }
0x12c: {  	[tilespmem:s0+$0x750] =	vst v8  }
0x12d: {  	[tilespmem:s0+$0x760] =	vst v9  }
0x12e: {  	[tilespmem:s0+$0x770] =	vst v10  }
0x12f: {  	[tilespmem:s0+$0x780] =	vst v11  }
0x130: {  	[tilespmem:s0+$0x790] =	vst v12  }
0x131: {  	[tilespmem:s0+$0x7A0] =	vst v13  }
0x132: {  	[tilespmem:s0+$0x7B0] =	vst v14  }
0x133: {  	[tilespmem:s0+$0x7C0] =	vst v0  }
0x134: {  	[tilespmem:s0+$0x7D0] =	vst v1  }
0x135: {  	[tilespmem:s0+$0x7E0] =	vst v2;
	s0 =	sadd.s32 $0x0, s7  }
0x136: {  	[hbm4b:s0+s4] =	stream.linear.scatter [tilespmem:s28], [sflag:$0x1], $0x4000, $0x38;
	[tilespmem:$0x4600] =	vst v63  }
0x137: {  	s3 =	sadd.s32 $0x800, s0  }
0x138: {  	[hbm4b:s3+s4] =	stream.linear.scatter [tilespmem:s28], [sflag:$0x1], $0x4000, $0x38;
	[tilespmem:$0x4600] =	vst v63  }
0x139: {  	s1 =	sadd.s32 $0x1000, s0  }
0x13a: {  	[hbm4b:s1+s4] =	stream.linear.scatter [tilespmem:s28], [sflag:$0x1], $0x4000, $0x38;
	[tilespmem:$0x4600] =	vst v63  }
0x13b: {  	s1 =	sadd.s32 $0x1800, s0  }
0x13c: {  	[hbm4b:s1+s4] =	stream.linear.scatter [tilespmem:s28], [sflag:$0x1], $0x4000, $0x38;
	[tilespmem:$0x4600] =	vst v63  }
0x13d: {  	s1 =	sadd.s32 $0x2000, s0  }
0x13e: {  	[hbm4b:s1+s4] =	stream.linear.scatter [tilespmem:s28], [sflag:$0x1], $0x4000, $0x38;
	[tilespmem:$0x4600] =	vst v63  }
0x13f: {  	s1 =	sadd.s32 $0x2800, s0  }
0x140: {  	[hbm4b:s1+s4] =	stream.linear.scatter [tilespmem:s28], [sflag:$0x1], $0x4000, $0x38;
	[tilespmem:$0x4600] =	vst v63  }
0x141: {  	s1 =	sadd.s32 $0x3000, s0  }
0x142: {  	[hbm4b:s1+s4] =	stream.linear.scatter [tilespmem:s28], [sflag:$0x1], $0x4000, $0x38;
	[tilespmem:$0x4600] =	vst v63  }
0x143: {  	s0 =	sadd.s32 $0x3800, s0  }
0x144: {  	[hbm4b:s0+s4] =	stream.linear.scatter [tilespmem:s28], [sflag:$0x1], $0x4000, $0x38;
	[tilespmem:$0x4600] =	vst v63  }
0x145: {  	_ =	swait.ge [sflag:s29], $0x4000  }
0x146: {  	[sflag:s29] =	ssyncset.done $0x0  }
0x147: {  	[sflag:s29] =	ssyncadd.s32 $0xFFFFC000  }
0x148: {  	_ =	swait.ge [sflag:s29], $0x4000  }
0x149: {  	[sflag:s29] =	ssyncset.done $0x0  }
0x14a: {  	[sflag:s29] =	ssyncadd.s32 $0xFFFFC000  }
0x14b: {  	_ =	swait.ge [sflag:s29], $0x4000  }
0x14c: {  	[sflag:s29] =	ssyncset.done $0x0  }
0x14d: {  	[sflag:s29] =	ssyncadd.s32 $0xFFFFC000  }
0x14e: {  	_ =	swait.ge [sflag:s29], $0x4000  }
0x14f: {  	[sflag:s29] =	ssyncset.done $0x0  }
0x150: {  	[sflag:s29] =	ssyncadd.s32 $0xFFFFC000  }
0x151: {  	_ =	swait.ge [sflag:s29], $0x4000  }
0x152: {  	[sflag:s29] =	ssyncset.done $0x0  }
0x153: {  	[sflag:s29] =	ssyncadd.s32 $0xFFFFC000  }
0x154: {  	_ =	swait.ge [sflag:s29], $0x4000  }
0x155: {  	[sflag:s29] =	ssyncset.done $0x0  }
0x156: {  	[sflag:s29] =	ssyncadd.s32 $0xFFFFC000  }
0x157: {  	_ =	swait.ge [sflag:s29], $0x4000  }
0x158: {  	[sflag:s29] =	ssyncset.done $0x0  }
0x159: {  	[sflag:s29] =	ssyncadd.s32 $0xFFFFC000  }
0x15a: {  	_ =	swait.ge [sflag:s29], $0x4000  }
0x15b: {  	s31 =	simm.s32 $0x4000;
	s0 =	simm.s32 $0x8000;
	[sflag:s29] =	ssyncset.done $0x0  }
.LBB2_4:
0x15c: {  	s1 =	sadd.s32 s31, s7  }
0x15d: {  	[sflag:s29] =	ssyncadd.s32 $0xFFFFC000;
	s31 =	smov.u32 s0;
	s3 =	sadd.s32 $0x4000, s0  }
0x15e: {  	[hbm4b:s1+s4] =	stream.linear.scatter [tilespmem:s28], [sflag:$0x1], $0x4000, $0x38;
	[tilespmem:$0x4600] =	vst v63  }
0x15f: {  	p0 =	sne.s32 s0, $0x1C000;
	s0 =	sadd.s32 $0x800, s1  }
0x160: {  	[hbm4b:s0+s4] =	stream.linear.scatter [tilespmem:s28], [sflag:$0x1], $0x4000, $0x38;
	[tilespmem:$0x4600] =	vst v63  }
0x161: {  	s0 =	sadd.s32 $0x1000, s1  }
0x162: {  	[hbm4b:s0+s4] =	stream.linear.scatter [tilespmem:s28], [sflag:$0x1], $0x4000, $0x38;
	[tilespmem:$0x4600] =	vst v63  }
0x163: {  	s0 =	sadd.s32 $0x1800, s1  }
0x164: {  	[hbm4b:s0+s4] =	stream.linear.scatter [tilespmem:s28], [sflag:$0x1], $0x4000, $0x38;
	[tilespmem:$0x4600] =	vst v63  }
0x165: {  	s0 =	sadd.s32 $0x2000, s1  }
0x166: {  	[hbm4b:s0+s4] =	stream.linear.scatter [tilespmem:s28], [sflag:$0x1], $0x4000, $0x38;
	[tilespmem:$0x4600] =	vst v63  }
0x167: {  	s0 =	sadd.s32 $0x2800, s1  }
0x168: {  	[hbm4b:s0+s4] =	stream.linear.scatter [tilespmem:s28], [sflag:$0x1], $0x4000, $0x38;
	[tilespmem:$0x4600] =	vst v63  }
0x169: {  	s0 =	sadd.s32 $0x3000, s1  }
0x16a: {  	[hbm4b:s0+s4] =	stream.linear.scatter [tilespmem:s28], [sflag:$0x1], $0x4000, $0x38;
	[tilespmem:$0x4600] =	vst v63  }
0x16b: {  	s0 =	sadd.s32 $0x3800, s1  }
0x16c: {  	[hbm4b:s0+s4] =	stream.linear.scatter [tilespmem:s28], [sflag:$0x1], $0x4000, $0x38;
	[tilespmem:$0x4600] =	vst v63  }
0x16d: {  	_ =	swait.ge [sflag:s29], $0x4000  }
0x16e: {  	[sflag:s29] =	ssyncset.done $0x0  }
0x16f: {  	[sflag:s29] =	ssyncadd.s32 $0xFFFFC000  }
0x170: {  	_ =	swait.ge [sflag:s29], $0x4000  }
0x171: {  	[sflag:s29] =	ssyncset.done $0x0  }
0x172: {  	[sflag:s29] =	ssyncadd.s32 $0xFFFFC000  }
0x173: {  	_ =	swait.ge [sflag:s29], $0x4000  }
0x174: {  	[sflag:s29] =	ssyncset.done $0x0  }
0x175: {  	[sflag:s29] =	ssyncadd.s32 $0xFFFFC000  }
0x176: {  	_ =	swait.ge [sflag:s29], $0x4000  }
0x177: {  	[sflag:s29] =	ssyncset.done $0x0  }
0x178: {  	[sflag:s29] =	ssyncadd.s32 $0xFFFFC000  }
0x179: {  	_ =	swait.ge [sflag:s29], $0x4000  }
0x17a: {  	[sflag:s29] =	ssyncset.done $0x0  }
0x17b: {  	[sflag:s29] =	ssyncadd.s32 $0xFFFFC000  }
0x17c: {  	_ =	swait.ge [sflag:s29], $0x4000  }
0x17d: {  	[sflag:s29] =	ssyncset.done $0x0  }
0x17e: {  	[sflag:s29] =	ssyncadd.s32 $0xFFFFC000  }
.Ltmp1:
0x17f: {  	_ =	swait.ge [sflag:s29], $0x4000;
	(pc) =	sbr.rel @p0 .LBB2_4-.Ltmp1, $4  }
0x180: {  	[sflag:s29] =	ssyncset.done $0x0  }
0x181: {  	[sflag:s29] =	ssyncadd.s32 $0xFFFFC000  }
0x182: {  	_ =	swait.ge [sflag:s29], $0x4000  }
0x183: {  	s0 =	smov.u32 s3;
	[sflag:s29] =	ssyncset.done $0x0  }
0x184: {  	s0 =	sadd.s32 s31, s7;
	[sflag:s29] =	ssyncadd.s32 $0xFFFFC000  }
0x185: {  	[hbm4b:s0+s4] =	stream.linear.scatter [tilespmem:s28], [sflag:$0x1], $0x4000, $0x38;
	[tilespmem:$0x4600] =	vst v63  }
0x186: {  	s1 =	sadd.s32 $0x800, s0  }
0x187: {  	[hbm4b:s1+s4] =	stream.linear.scatter [tilespmem:s28], [sflag:$0x1], $0x4000, $0x38;
	[tilespmem:$0x4600] =	vst v63  }
0x188: {  	s31 =	sadd.s32 $0x1000, s0  }
0x189: {  	[hbm4b:s31+s4] =	stream.linear.scatter [tilespmem:s28], [sflag:$0x1], $0x4000, $0x38;
	[tilespmem:$0x4600] =	vst v63  }
0x18a: {  	s3 =	sadd.s32 $0x1800, s0  }
0x18b: {  	[hbm4b:s3+s4] =	stream.linear.scatter [tilespmem:s28], [sflag:$0x1], $0x4000, $0x38;
	[tilespmem:$0x4600] =	vst v63  }
0x18c: {  	s31 =	sadd.s32 $0x2000, s0  }
0x18d: {  	[hbm4b:s31+s4] =	stream.linear.scatter [tilespmem:s28], [sflag:$0x1], $0x4000, $0x38;
	[tilespmem:$0x4600] =	vst v63  }
0x18e: {  	s3 =	sadd.s32 $0x2800, s0  }
0x18f: {  	[hbm4b:s3+s4] =	stream.linear.scatter [tilespmem:s28], [sflag:$0x1], $0x4000, $0x38;
	[tilespmem:$0x4600] =	vst v63  }
0x190: {  	s31 =	sadd.s32 $0x3000, s0  }
0x191: {  	[hbm4b:s31+s4] =	stream.linear.scatter [tilespmem:s28], [sflag:$0x1], $0x4000, $0x38;
	[tilespmem:$0x4600] =	vst v63  }
0x192: {  	s0 =	sadd.s32 $0x3800, s0  }
0x193: {  	[hbm4b:s0+s4] =	stream.linear.scatter [tilespmem:s28], [sflag:$0x1], $0x4000, $0x38;
	[tilespmem:$0x4600] =	vst v63  }
0x194: {  	_ =	swait.ge [sflag:s29], $0x4000  }
0x195: {  	[sflag:s29] =	ssyncset.done $0x0  }
0x196: {  	[sflag:s29] =	ssyncadd.s32 $0xFFFFC000  }
0x197: {  	_ =	swait.ge [sflag:s29], $0x4000  }
0x198: {  	[sflag:s29] =	ssyncset.done $0x0  }
0x199: {  	[sflag:s29] =	ssyncadd.s32 $0xFFFFC000  }
0x19a: {  	_ =	swait.ge [sflag:s29], $0x4000  }
0x19b: {  	[sflag:s29] =	ssyncset.done $0x0  }
0x19c: {  	[sflag:s29] =	ssyncadd.s32 $0xFFFFC000  }
0x19d: {  	_ =	swait.ge [sflag:s29], $0x4000  }
0x19e: {  	[sflag:s29] =	ssyncset.done $0x0  }
0x19f: {  	[sflag:s29] =	ssyncadd.s32 $0xFFFFC000  }
0x1a0: {  	_ =	swait.ge [sflag:s29], $0x4000  }
0x1a1: {  	[sflag:s29] =	ssyncset.done $0x0  }
0x1a2: {  	[sflag:s29] =	ssyncadd.s32 $0xFFFFC000  }
0x1a3: {  	_ =	swait.ge [sflag:s29], $0x4000  }
0x1a4: {  	[sflag:s29] =	ssyncset.done $0x0  }
0x1a5: {  	s30 =	sadd.s32 $0x1, s30;
	[sflag:s29] =	ssyncadd.s32 $0xFFFFC000  }
0x1a6: {  	p0 =	sne.s32 s30, s6;
	_ =	swait.ge [sflag:s29], $0x4000  }
.Ltmp2:
0x1a7: {  	[sflag:s29] =	ssyncset.done $0x0;
	(pc) =	sbr.rel @p0 .LBB2_1-.Ltmp2, $4  }
0x1a8: {  	[sflag:s29] =	ssyncadd.s32 $0xFFFFC000  }
0x1a9: {  	_ =	swait.ge [sflag:s29], $0x4000  }
0x1aa: {  	[sflag:s29] =	ssyncset.done $0x0  }
0x1ab: {  	[sflag:s29] =	ssyncadd.s32 $0xFFFFC000  }
0x1ac: {  	_ =	sfence.sel $0x180000  }
0x1ad: {  	[bflag:$0x0] =	sbarrier.arrive $0xFFFF  }
0x1ae: {  	_ =	strace $0x90000047  }
0x1af: {  	s0 =	stileid.u32;
	[bflag:$0x2] =	sbarrier.arrive $0xFFFF  }
0x1b0: {  	p0 =	sne.s32 s0, $0x0;
	s0 =	rddreg [dreg:$0x4]  }
0x1b1: {  	s0 =	sadd.s32 @!p0 $0x100000, s0  }
0x1b2: {  	[sflag:s0] =	ssyncadd.tile.s32 @!p0 $0x1;
	_ =	shalt  }
.Lfunc_end2:
_tile_overlayer_lowered:
.L_overlay_start_2:
0x1b3: {  	(tag) =	ssettag $0x2  }
0x1b4: {  	s0 =	rddreg [dreg:$0x0];
	s2 =	stileid.u32  }
0x1b5: {  	s1 =	rddreg [dreg:$0x1];
	p0 =	sne.s32 s2, $0x0  }
0x1b6: {  	s3 =	rddreg [dreg:$0x2];
	[bflag:$0x3] =	sbarrier.arrive $0xFFFF;
	s2 =	simm.s32 @!p0 $0x1C02  }
0x1b7: {  	[timem:s3], [sflag:s2] =	dma.local @!p0 [hbm:s0], s1  }
0x1b8: {  	s0 =	simm.s32 @!p0 $0x2  }
0x1b9: {  	_ =	swait.ge @!p0 [sflag:s0], s1  }
0x1ba: {  	s1 =	ssub.s32 @!p0 $0x0, s1;
	[sflag:s0] =	ssyncset.done @!p0 $0x0  }
0x1bb: {  	[sflag:s0] =	ssyncadd.s32 @!p0 s1  }
0x1bc: {  	[bflag:$0x3] =	sbarrier.arrive $0xFFFF  }
0x1bd: {  	_ =	shalt  }

</sc_bundles>
